<compile_context>
chip_gen: v7x
topology: tpu7x:2x2x1
jax: 0.10.2.dev20260603
libtpu: 0.0.44.dev20260713+nightly
codegen_flags: <defaults>
</compile_context>

<pallas_src>
import functools

import jax
import jax.numpy as jnp
from jax import lax
from jax.experimental import pallas as pl
from jax.experimental.pallas import tpu as pltpu
from jax.experimental.pallas import tpu_sc as plsc

_D = 64
_B = 16384
_NC = 2
_NS = 16
_NW = _NC * _NS
_ROWS_PER_W = _B // _NW
_CHUNK = 256
_K = _ROWS_PER_W // _CHUNK
_NSEM = 4

_mesh = plsc.VectorSubcoreMesh(core_axis_name="c", subcore_axis_name="s")


@functools.partial(
    pl.kernel,
    out_type=(
        jax.ShapeDtypeStruct((_B, _D), jnp.float32),
        jax.ShapeDtypeStruct((_B, _D), jnp.float32),
    ),
    mesh=_mesh,
    scratch_types=[
        pltpu.VMEM((_ROWS_PER_W,), jnp.int32),
        pltpu.VMEM((_ROWS_PER_W,), jnp.int32),
        pltpu.VMEM((_CHUNK, _D), jnp.float32),
        pltpu.VMEM((_CHUNK, _D), jnp.float32),
        [pltpu.SemaphoreType.DMA] * _NSEM,
        [pltpu.SemaphoreType.DMA] * _NSEM,
    ],
)
def _od_gather(table, ori, dest, o_out, d_out, oidx_v, didx_v, obuf, dbuf, sems_o, sems_d):
    wid = lax.axis_index("s") * _NC + lax.axis_index("c")
    row0 = wid * _ROWS_PER_W
    pltpu.sync_copy(ori.at[pl.ds(row0, _ROWS_PER_W)], oidx_v)
    pltpu.sync_copy(dest.at[pl.ds(row0, _ROWS_PER_W)], didx_v)

    def chunk_body(c, _):
        def group_body(g, _):
            ovec = oidx_v[pl.ds(c * _CHUNK + g * 16, 16)]
            dvec = didx_v[pl.ds(c * _CHUNK + g * 16, 16)]
            for l in range(16):
                pltpu.async_copy(
                    table.at[pl.ds(ovec[l], 1)],
                    obuf.at[pl.ds(g * 16 + l, 1)],
                    sems_o[l % _NSEM],
                )
                pltpu.async_copy(
                    table.at[pl.ds(dvec[l], 1)],
                    dbuf.at[pl.ds(g * 16 + l, 1)],
                    sems_d[l % _NSEM],
                )
            return ()

        lax.fori_loop(0, _CHUNK // 16, group_body, ())
        n_per_sem = _CHUNK // _NSEM
        for s in range(_NSEM):
            pltpu.make_async_copy(
                table.at[pl.ds(0, n_per_sem)], obuf.at[pl.ds(0, n_per_sem)], sems_o[s]
            ).wait()
            pltpu.make_async_copy(
                table.at[pl.ds(0, n_per_sem)], dbuf.at[pl.ds(0, n_per_sem)], sems_d[s]
            ).wait()
        pltpu.sync_copy(obuf, o_out.at[pl.ds(row0 + c * _CHUNK, _CHUNK)])
        pltpu.sync_copy(dbuf, d_out.at[pl.ds(row0 + c * _CHUNK, _CHUNK)])
        return ()

    lax.fori_loop(0, _K, chunk_body, ())


@jax.jit
def kernel(ori, dest, table):
    return _od_gather(table, ori, dest)

# --- scband reference (transcript-rebuilt; emitter-appended) ---
"""Pipeline reference for scband-odencoder-7301444403738 (READ-ONLY COPY).

The authoritative reference and input builder live on the scoring server;
editing this copy changes nothing except your own understanding.
"""

import jax, jax.numpy as jnp
import numpy as np

NODE_NUM = 1000000
D_NODE = 64
BATCH = 16384

def setup_inputs(seed: int = 0) -> dict:
    key = jax.random.key(seed)
    k1, k2, k3 = jax.random.split(key, 3)
    ori = jax.random.randint(k1, (BATCH,), 0, NODE_NUM, dtype=jnp.int64 if jax.config.jax_enable_x64 else jnp.int32).astype(jnp.int32)
    dest = jax.random.randint(k2, (BATCH,), 0, NODE_NUM, dtype=jnp.int32)
    table = jax.random.normal(k3, (NODE_NUM, D_NODE), dtype=jnp.float32) * 0.02
    return {"ori": ori, "dest": dest, "table": table}

def reference(ori, dest, table):
    # Faithful to ODEncoder.forward: two embedding lookups on the shared node table
    emb_o = jnp.take(table, ori, axis=0)
    emb_d = jnp.take(table, dest, axis=0)
    return (emb_o, emb_d)

if __name__ == "__main__":
    import jax
    _d = setup_inputs()
    print(jax.jit(kernel)(*tuple(_d.values())))

</pallas_src>

<mosaic_0001>
#map = affine_map<(d0, d1) -> (0, 0)>
#map1 = affine_map<(d0, d1) -> (0)>
module attributes {stable_mosaic.version = 14 : i64} {
  func.func @_od_gather(%arg0: i32, %arg1: i32, %arg2: memref<1000000x64xf32, #tpu.memory_space<hbm>>, %arg3: memref<16384xi32, #tpu.memory_space<hbm>>, %arg4: memref<16384xi32, #tpu.memory_space<hbm>>, %arg5: memref<16384x64xf32, #tpu.memory_space<hbm>>, %arg6: memref<16384x64xf32, #tpu.memory_space<hbm>>, %arg7: memref<512xi32, #tpu.memory_space<vmem>>, %arg8: memref<512xi32, #tpu.memory_space<vmem>>, %arg9: memref<256x64xf32, #tpu.memory_space<vmem>>, %arg10: memref<256x64xf32, #tpu.memory_space<vmem>>, %arg11: memref<!tpu.dma_semaphore, #tpu.memory_space<semaphore_mem>>, %arg12: memref<!tpu.dma_semaphore, #tpu.memory_space<semaphore_mem>>, %arg13: memref<!tpu.dma_semaphore, #tpu.memory_space<semaphore_mem>>, %arg14: memref<!tpu.dma_semaphore, #tpu.memory_space<semaphore_mem>>, %arg15: memref<!tpu.dma_semaphore, #tpu.memory_space<semaphore_mem>>, %arg16: memref<!tpu.dma_semaphore, #tpu.memory_space<semaphore_mem>>, %arg17: memref<!tpu.dma_semaphore, #tpu.memory_space<semaphore_mem>>, %arg18: memref<!tpu.dma_semaphore, #tpu.memory_space<semaphore_mem>>) attributes {dimension_semantics = [#tpu.dimension_semantics<core_parallel>, #tpu.dimension_semantics<subcore_parallel>], iteration_bounds = array<i64: 2, 16>, scalar_prefetch = 0 : i64, scratch_operands = 12 : i64, tpu.core_type = #tpu.core_type<sc_vector_subcore>, window_params = [{transform_indices = #map}, {transform_indices = #map1}, {transform_indices = #map1}, {transform_indices = #map}, {transform_indices = #map}]} {
    %mul3A = arith.constant 2 : i32
    %mul3A_0 = arith.muli %arg1, %mul3A : i32
    %add3A = arith.addi %mul3A_0, %arg0 : i32
    %mul3A_1 = arith.constant 512 : i32
    %mul3A_2 = arith.muli %add3A, %mul3A_1 : i32
    "tpu.region"() ({
      %run_scoped3A = tpu.sem_alloc : memref<!tpu.dma_semaphore, #tpu.memory_space<semaphore_mem>>
      %dma_start3A = tpu.memref_slice %arg3[%mul3A_2] : memref<16384xi32, #tpu.memory_space<hbm>> -> memref<512xi32, #tpu.memory_space<hbm>>
      %dma_start3A_7 = tpu.memref_slice %arg3[%mul3A_2] : memref<16384xi32, #tpu.memory_space<hbm>> -> memref<512xi32, #tpu.memory_space<hbm>>
      tpu.enqueue_dma source(%dma_start3A_7 : memref<512xi32, #tpu.memory_space<hbm>>) target(%arg7 : memref<512xi32, #tpu.memory_space<vmem>>) target_semaphore(%run_scoped3A : memref<!tpu.dma_semaphore, #tpu.memory_space<semaphore_mem>>)
      %dma_wait3A = tpu.memref_slice %arg3[%mul3A_2] : memref<16384xi32, #tpu.memory_space<hbm>> -> memref<512xi32, #tpu.memory_space<hbm>>
      %dma_wait3A_8 = tpu.memref_slice %arg3[%mul3A_2] : memref<16384xi32, #tpu.memory_space<hbm>> -> memref<512xi32, #tpu.memory_space<hbm>>
      tpu.wait_dma2 semaphore(%run_scoped3A : memref<!tpu.dma_semaphore, #tpu.memory_space<semaphore_mem>>) src(%dma_wait3A_8 : memref<512xi32, #tpu.memory_space<hbm>>) dst(%arg7 : memref<512xi32, #tpu.memory_space<vmem>>)
      tpu.yield
    }) : () -> ()
    "tpu.region"() ({
      %run_scoped3A = tpu.sem_alloc : memref<!tpu.dma_semaphore, #tpu.memory_space<semaphore_mem>>
      %dma_start3A = tpu.memref_slice %arg4[%mul3A_2] : memref<16384xi32, #tpu.memory_space<hbm>> -> memref<512xi32, #tpu.memory_space<hbm>>
      %dma_start3A_7 = tpu.memref_slice %arg4[%mul3A_2] : memref<16384xi32, #tpu.memory_space<hbm>> -> memref<512xi32, #tpu.memory_space<hbm>>
      tpu.enqueue_dma source(%dma_start3A_7 : memref<512xi32, #tpu.memory_space<hbm>>) target(%arg8 : memref<512xi32, #tpu.memory_space<vmem>>) target_semaphore(%run_scoped3A : memref<!tpu.dma_semaphore, #tpu.memory_space<semaphore_mem>>)
      %dma_wait3A = tpu.memref_slice %arg4[%mul3A_2] : memref<16384xi32, #tpu.memory_space<hbm>> -> memref<512xi32, #tpu.memory_space<hbm>>
      %dma_wait3A_8 = tpu.memref_slice %arg4[%mul3A_2] : memref<16384xi32, #tpu.memory_space<hbm>> -> memref<512xi32, #tpu.memory_space<hbm>>
      tpu.wait_dma2 semaphore(%run_scoped3A : memref<!tpu.dma_semaphore, #tpu.memory_space<semaphore_mem>>) src(%dma_wait3A_8 : memref<512xi32, #tpu.memory_space<hbm>>) dst(%arg8 : memref<512xi32, #tpu.memory_space<vmem>>)
      tpu.yield
    }) : () -> ()
    %scan3A = arith.constant 0 : i32
    %scan3A_3 = arith.constant 2 : i32
    %scan3A_4 = arith.addi %scan3A, %scan3A_3 : i32
    %scan3A_5 = arith.constant 1 : i32
    scf.for %scan3A_7 = %scan3A to %scan3A_4 step %scan3A_5  : i32 {
      %scan3A_8 = arith.constant 0 : i32
      %scan3A_9 = arith.constant 16 : i32
      %scan3A_10 = arith.addi %scan3A_8, %scan3A_9 : i32
      %scan3A_11 = arith.constant 1 : i32
      scf.for %scan3A_114 = %scan3A_8 to %scan3A_10 step %scan3A_11  : i32 {
        %mul3A_115 = arith.constant 256 : i32
        %mul3A_116 = arith.muli %scan3A_7, %mul3A_115 : i32
        %mul3A_117 = arith.constant 16 : i32
        %mul3A_118 = arith.muli %scan3A_114, %mul3A_117 : i32
        %add3A_119 = arith.addi %mul3A_116, %mul3A_118 : i32
        %get3A = arith.index_cast %add3A_119 : i32 to index
        %get3A_120 = tpu.vector_load %arg7[%get3A] {strides = array<i32>} : memref<512xi32, #tpu.memory_space<vmem>>, vector<16xi32>,
        %get3A_121 = vector.shape_cast %get3A_120 : vector<16xi32> to vector<16xi32>
        %mul3A_122 = arith.constant 256 : i32
        %mul3A_123 = arith.muli %scan3A_7, %mul3A_122 : i32
        %mul3A_124 = arith.constant 16 : i32
        %mul3A_125 = arith.muli %scan3A_114, %mul3A_124 : i32
        %add3A_126 = arith.addi %mul3A_123, %mul3A_125 : i32
        %get3A_127 = arith.index_cast %add3A_126 : i32 to index
        %get3A_128 = tpu.vector_load %arg8[%get3A_127] {strides = array<i32>} : memref<512xi32, #tpu.memory_space<vmem>>, vector<16xi32>,
        %get3A_129 = vector.shape_cast %get3A_128 : vector<16xi32> to vector<16xi32>
        %slice3A = vector.extract_strided_slice %get3A_121 {offsets = [0], sizes = [1], strides = [1]} : vector<16xi32> to vector<1xi32>
        %squeeze3A = vector.extract %slice3A[0] : i32 from vector<1xi32>
        %mul3A_130 = arith.constant 16 : i32
        %mul3A_131 = arith.muli %scan3A_114, %mul3A_130 : i32
        %add3A_132 = arith.constant 0 : i32
        %add3A_133 = arith.addi %mul3A_131, %add3A_132 : i32
        %dma_start3A = arith.constant 0 : i32
        %dma_start3A_134 = tpu.memref_slice %arg9[%add3A_133, %dma_start3A] : memref<256x64xf32, #tpu.memory_space<vmem>> -> memref<1x64xf32, #tpu.memory_space<vmem>>
        %dma_start3A_135 = arith.constant 0 : i32
        %dma_start3A_136 = tpu.memref_slice %arg2[%squeeze3A, %dma_start3A_135] : memref<1000000x64xf32, #tpu.memory_space<hbm>> -> memref<1x64xf32, #tpu.memory_space<hbm>>
        %dma_start3A_137 = arith.constant 0 : i32
        %dma_start3A_138 = tpu.memref_slice %arg9[%add3A_133, %dma_start3A_137] : memref<256x64xf32, #tpu.memory_space<vmem>> -> memref<1x64xf32, #tpu.memory_space<vmem>>
        %dma_start3A_139 = arith.constant 0 : i32
        %dma_start3A_140 = tpu.memref_slice %arg2[%squeeze3A, %dma_start3A_139] : memref<1000000x64xf32, #tpu.memory_space<hbm>> -> memref<1x64xf32, #tpu.memory_space<hbm>>
        tpu.enqueue_dma source(%dma_start3A_140 : memref<1x64xf32, #tpu.memory_space<hbm>>) target(%dma_start3A_138 : memref<1x64xf32, #tpu.memory_space<vmem>>) target_semaphore(%arg11 : memref<!tpu.dma_semaphore, #tpu.memory_space<semaphore_mem>>)
        %slice3A_141 = vector.extract_strided_slice %get3A_129 {offsets = [0], sizes = [1], strides = [1]} : vector<16xi32> to vector<1xi32>
        %squeeze3A_142 = vector.extract %slice3A_141[0] : i32 from vector<1xi32>
        %mul3A_143 = arith.constant 16 : i32
        %mul3A_144 = arith.muli %scan3A_114, %mul3A_143 : i32
        %add3A_145 = arith.constant 0 : i32
        %add3A_146 = arith.addi %mul3A_144, %add3A_145 : i32
        %dma_start3A_147 = arith.constant 0 : i32
        %dma_start3A_148 = tpu.memref_slice %arg10[%add3A_146, %dma_start3A_147] : memref<256x64xf32, #tpu.memory_space<vmem>> -> memref<1x64xf32, #tpu.memory_space<vmem>>
        %dma_start3A_149 = arith.constant 0 : i32
        %dma_start3A_150 = tpu.memref_slice %arg2[%squeeze3A_142, %dma_start3A_149] : memref<1000000x64xf32, #tpu.memory_space<hbm>> -> memref<1x64xf32, #tpu.memory_space<hbm>>
        %dma_start3A_151 = arith.constant 0 : i32
        %dma_start3A_152 = tpu.memref_slice %arg10[%add3A_146, %dma_start3A_151] : memref<256x64xf32, #tpu.memory_space<vmem>> -> memref<1x64xf32, #tpu.memory_space<vmem>>
        %dma_start3A_153 = arith.constant 0 : i32
        %dma_start3A_154 = tpu.memref_slice %arg2[%squeeze3A_142, %dma_start3A_153] : memref<1000000x64xf32, #tpu.memory_space<hbm>> -> memref<1x64xf32, #tpu.memory_space<hbm>>
        tpu.enqueue_dma source(%dma_start3A_154 : memref<1x64xf32, #tpu.memory_space<hbm>>) target(%dma_start3A_152 : memref<1x64xf32, #tpu.memory_space<vmem>>) target_semaphore(%arg15 : memref<!tpu.dma_semaphore, #tpu.memory_space<semaphore_mem>>)
        %slice3A_155 = vector.extract_strided_slice %get3A_121 {offsets = [1], sizes = [1], strides = [1]} : vector<16xi32> to vector<1xi32>
        %squeeze3A_156 = vector.extract %slice3A_155[0] : i32 from vector<1xi32>
        %mul3A_157 = arith.constant 16 : i32
        %mul3A_158 = arith.muli %scan3A_114, %mul3A_157 : i32
        %add3A_159 = arith.constant 1 : i32
        %add3A_160 = arith.addi %mul3A_158, %add3A_159 : i32
        %dma_start3A_161 = arith.constant 0 : i32
        %dma_start3A_162 = tpu.memref_slice %arg9[%add3A_160, %dma_start3A_161] : memref<256x64xf32, #tpu.memory_space<vmem>> -> memref<1x64xf32, #tpu.memory_space<vmem>>
        %dma_start3A_163 = arith.constant 0 : i32
        %dma_start3A_164 = tpu.memref_slice %arg2[%squeeze3A_156, %dma_start3A_163] : memref<1000000x64xf32, #tpu.memory_space<hbm>> -> memref<1x64xf32, #tpu.memory_space<hbm>>
        %dma_start3A_165 = arith.constant 0 : i32
        %dma_start3A_166 = tpu.memref_slice %arg9[%add3A_160, %dma_start3A_165] : memref<256x64xf32, #tpu.memory_space<vmem>> -> memref<1x64xf32, #tpu.memory_space<vmem>>
        %dma_start3A_167 = arith.constant 0 : i32
        %dma_start3A_168 = tpu.memref_slice %arg2[%squeeze3A_156, %dma_start3A_167] : memref<1000000x64xf32, #tpu.memory_space<hbm>> -> memref<1x64xf32, #tpu.memory_space<hbm>>
        tpu.enqueue_dma source(%dma_start3A_168 : memref<1x64xf32, #tpu.memory_space<hbm>>) target(%dma_start3A_166 : memref<1x64xf32, #tpu.memory_space<vmem>>) target_semaphore(%arg12 : memref<!tpu.dma_semaphore, #tpu.memory_space<semaphore_mem>>)
        %slice3A_169 = vector.extract_strided_slice %get3A_129 {offsets = [1], sizes = [1], strides = [1]} : vector<16xi32> to vector<1xi32>
        %squeeze3A_170 = vector.extract %slice3A_169[0] : i32 from vector<1xi32>
        %mul3A_171 = arith.constant 16 : i32
        %mul3A_172 = arith.muli %scan3A_114, %mul3A_171 : i32
        %add3A_173 = arith.constant 1 : i32
        %add3A_174 = arith.addi %mul3A_172, %add3A_173 : i32
        %dma_start3A_175 = arith.constant 0 : i32
        %dma_start3A_176 = tpu.memref_slice %arg10[%add3A_174, %dma_start3A_175] : memref<256x64xf32, #tpu.memory_space<vmem>> -> memref<1x64xf32, #tpu.memory_space<vmem>>
        %dma_start3A_177 = arith.constant 0 : i32
        %dma_start3A_178 = tpu.memref_slice %arg2[%squeeze3A_170, %dma_start3A_177] : memref<1000000x64xf32, #tpu.memory_space<hbm>> -> memref<1x64xf32, #tpu.memory_space<hbm>>
        %dma_start3A_179 = arith.constant 0 : i32
        %dma_start3A_180 = tpu.memref_slice %arg10[%add3A_174, %dma_start3A_179] : memref<256x64xf32, #tpu.memory_space<vmem>> -> memref<1x64xf32, #tpu.memory_space<vmem>>
        %dma_start3A_181 = arith.constant 0 : i32
        %dma_start3A_182 = tpu.memref_slice %arg2[%squeeze3A_170, %dma_start3A_181] : memref<1000000x64xf32, #tpu.memory_space<hbm>> -> memref<1x64xf32, #tpu.memory_space<hbm>>
        tpu.enqueue_dma source(%dma_start3A_182 : memref<1x64xf32, #tpu.memory_space<hbm>>) target(%dma_start3A_180 : memref<1x64xf32, #tpu.memory_space<vmem>>) target_semaphore(%arg16 : memref<!tpu.dma_semaphore, #tpu.memory_space<semaphore_mem>>)
        %slice3A_183 = vector.extract_strided_slice %get3A_121 {offsets = [2], sizes = [1], strides = [1]} : vector<16xi32> to vector<1xi32>
        %squeeze3A_184 = vector.extract %slice3A_183[0] : i32 from vector<1xi32>
        %mul3A_185 = arith.constant 16 : i32
        %mul3A_186 = arith.muli %scan3A_114, %mul3A_185 : i32
        %add3A_187 = arith.constant 2 : i32
        %add3A_188 = arith.addi %mul3A_186, %add3A_187 : i32
        %dma_start3A_189 = arith.constant 0 : i32
        %dma_start3A_190 = tpu.memref_slice %arg9[%add3A_188, %dma_start3A_189] : memref<256x64xf32, #tpu.memory_space<vmem>> -> memref<1x64xf32, #tpu.memory_space<vmem>>
        %dma_start3A_191 = arith.constant 0 : i32
        %dma_start3A_192 = tpu.memref_slice %arg2[%squeeze3A_184, %dma_start3A_191] : memref<1000000x64xf32, #tpu.memory_space<hbm>> -> memref<1x64xf32, #tpu.memory_space<hbm>>
        %dma_start3A_193 = arith.constant 0 : i32
        %dma_start3A_194 = tpu.memref_slice %arg9[%add3A_188, %dma_start3A_193] : memref<256x64xf32, #tpu.memory_space<vmem>> -> memref<1x64xf32, #tpu.memory_space<vmem>>
        %dma_start3A_195 = arith.constant 0 : i32
        %dma_start3A_196 = tpu.memref_slice %arg2[%squeeze3A_184, %dma_start3A_195] : memref<1000000x64xf32, #tpu.memory_space<hbm>> -> memref<1x64xf32, #tpu.memory_space<hbm>>
        tpu.enqueue_dma source(%dma_start3A_196 : memref<1x64xf32, #tpu.memory_space<hbm>>) target(%dma_start3A_194 : memref<1x64xf32, #tpu.memory_space<vmem>>) target_semaphore(%arg13 : memref<!tpu.dma_semaphore, #tpu.memory_space<semaphore_mem>>)
        %slice3A_197 = vector.extract_strided_slice %get3A_129 {offsets = [2], sizes = [1], strides = [1]} : vector<16xi32> to vector<1xi32>
        %squeeze3A_198 = vector.extract %slice3A_197[0] : i32 from vector<1xi32>
        %mul3A_199 = arith.constant 16 : i32
        %mul3A_200 = arith.muli %scan3A_114, %mul3A_199 : i32
        %add3A_201 = arith.constant 2 : i32
        %add3A_202 = arith.addi %mul3A_200, %add3A_201 : i32
        %dma_start3A_203 = arith.constant 0 : i32
        %dma_start3A_204 = tpu.memref_slice %arg10[%add3A_202, %dma_start3A_203] : memref<256x64xf32, #tpu.memory_space<vmem>> -> memref<1x64xf32, #tpu.memory_space<vmem>>
        %dma_start3A_205 = arith.constant 0 : i32
        %dma_start3A_206 = tpu.memref_slice %arg2[%squeeze3A_198, %dma_start3A_205] : memref<1000000x64xf32, #tpu.memory_space<hbm>> -> memref<1x64xf32, #tpu.memory_space<hbm>>
        %dma_start3A_207 = arith.constant 0 : i32
        %dma_start3A_208 = tpu.memref_slice %arg10[%add3A_202, %dma_start3A_207] : memref<256x64xf32, #tpu.memory_space<vmem>> -> memref<1x64xf32, #tpu.memory_space<vmem>>
        %dma_start3A_209 = arith.constant 0 : i32
        %dma_start3A_210 = tpu.memref_slice %arg2[%squeeze3A_198, %dma_start3A_209] : memref<1000000x64xf32, #tpu.memory_space<hbm>> -> memref<1x64xf32, #tpu.memory_space<hbm>>
        tpu.enqueue_dma source(%dma_start3A_210 : memref<1x64xf32, #tpu.memory_space<hbm>>) target(%dma_start3A_208 : memref<1x64xf32, #tpu.memory_space<vmem>>) target_semaphore(%arg17 : memref<!tpu.dma_semaphore, #tpu.memory_space<semaphore_mem>>)
        %slice3A_211 = vector.extract_strided_slice %get3A_121 {offsets = [3], sizes = [1], strides = [1]} : vector<16xi32> to vector<1xi32>
        %squeeze3A_212 = vector.extract %slice3A_211[0] : i32 from vector<1xi32>
        %mul3A_213 = arith.constant 16 : i32
        %mul3A_214 = arith.muli %scan3A_114, %mul3A_213 : i32
        %add3A_215 = arith.constant 3 : i32
        %add3A_216 = arith.addi %mul3A_214, %add3A_215 : i32
        %dma_start3A_217 = arith.constant 0 : i32
        %dma_start3A_218 = tpu.memref_slice %arg9[%add3A_216, %dma_start3A_217] : memref<256x64xf32, #tpu.memory_space<vmem>> -> memref<1x64xf32, #tpu.memory_space<vmem>>
        %dma_start3A_219 = arith.constant 0 : i32
        %dma_start3A_220 = tpu.memref_slice %arg2[%squeeze3A_212, %dma_start3A_219] : memref<1000000x64xf32, #tpu.memory_space<hbm>> -> memref<1x64xf32, #tpu.memory_space<hbm>>
        %dma_start3A_221 = arith.constant 0 : i32
        %dma_start3A_222 = tpu.memref_slice %arg9[%add3A_216, %dma_start3A_221] : memref<256x64xf32, #tpu.memory_space<vmem>> -> memref<1x64xf32, #tpu.memory_space<vmem>>
        %dma_start3A_223 = arith.constant 0 : i32
        %dma_start3A_224 = tpu.memref_slice %arg2[%squeeze3A_212, %dma_start3A_223] : memref<1000000x64xf32, #tpu.memory_space<hbm>> -> memref<1x64xf32, #tpu.memory_space<hbm>>
        tpu.enqueue_dma source(%dma_start3A_224 : memref<1x64xf32, #tpu.memory_space<hbm>>) target(%dma_start3A_222 : memref<1x64xf32, #tpu.memory_space<vmem>>) target_semaphore(%arg14 : memref<!tpu.dma_semaphore, #tpu.memory_space<semaphore_mem>>)
        %slice3A_225 = vector.extract_strided_slice %get3A_129 {offsets = [3], sizes = [1], strides = [1]} : vector<16xi32> to vector<1xi32>
        %squeeze3A_226 = vector.extract %slice3A_225[0] : i32 from vector<1xi32>
        %mul3A_227 = arith.constant 16 : i32
        %mul3A_228 = arith.muli %scan3A_114, %mul3A_227 : i32
        %add3A_229 = arith.constant 3 : i32
        %add3A_230 = arith.addi %mul3A_228, %add3A_229 : i32
        %dma_start3A_231 = arith.constant 0 : i32
        %dma_start3A_232 = tpu.memref_slice %arg10[%add3A_230, %dma_start3A_231] : memref<256x64xf32, #tpu.memory_space<vmem>> -> memref<1x64xf32, #tpu.memory_space<vmem>>
        %dma_start3A_233 = arith.constant 0 : i32
        %dma_start3A_234 = tpu.memref_slice %arg2[%squeeze3A_226, %dma_start3A_233] : memref<1000000x64xf32, #tpu.memory_space<hbm>> -> memref<1x64xf32, #tpu.memory_space<hbm>>
        %dma_start3A_235 = arith.constant 0 : i32
        %dma_start3A_236 = tpu.memref_slice %arg10[%add3A_230, %dma_start3A_235] : memref<256x64xf32, #tpu.memory_space<vmem>> -> memref<1x64xf32, #tpu.memory_space<vmem>>
        %dma_start3A_237 = arith.constant 0 : i32
        %dma_start3A_238 = tpu.memref_slice %arg2[%squeeze3A_226, %dma_start3A_237] : memref<1000000x64xf32, #tpu.memory_space<hbm>> -> memref<1x64xf32, #tpu.memory_space<hbm>>
        tpu.enqueue_dma source(%dma_start3A_238 : memref<1x64xf32, #tpu.memory_space<hbm>>) target(%dma_start3A_236 : memref<1x64xf32, #tpu.memory_space<vmem>>) target_semaphore(%arg18 : memref<!tpu.dma_semaphore, #tpu.memory_space<semaphore_mem>>)
        %slice3A_239 = vector.extract_strided_slice %get3A_121 {offsets = [4], sizes = [1], strides = [1]} : vector<16xi32> to vector<1xi32>
        %squeeze3A_240 = vector.extract %slice3A_239[0] : i32 from vector<1xi32>
        %mul3A_241 = arith.constant 16 : i32
        %mul3A_242 = arith.muli %scan3A_114, %mul3A_241 : i32
        %add3A_243 = arith.constant 4 : i32
        %add3A_244 = arith.addi %mul3A_242, %add3A_243 : i32
        %dma_start3A_245 = arith.constant 0 : i32
        %dma_start3A_246 = tpu.memref_slice %arg9[%add3A_244, %dma_start3A_245] : memref<256x64xf32, #tpu.memory_space<vmem>> -> memref<1x64xf32, #tpu.memory_space<vmem>>
        %dma_start3A_247 = arith.constant 0 : i32
        %dma_start3A_248 = tpu.memref_slice %arg2[%squeeze3A_240, %dma_start3A_247] : memref<1000000x64xf32, #tpu.memory_space<hbm>> -> memref<1x64xf32, #tpu.memory_space<hbm>>
        %dma_start3A_249 = arith.constant 0 : i32
        %dma_start3A_250 = tpu.memref_slice %arg9[%add3A_244, %dma_start3A_249] : memref<256x64xf32, #tpu.memory_space<vmem>> -> memref<1x64xf32, #tpu.memory_space<vmem>>
        %dma_start3A_251 = arith.constant 0 : i32
        %dma_start3A_252 = tpu.memref_slice %arg2[%squeeze3A_240, %dma_start3A_251] : memref<1000000x64xf32, #tpu.memory_space<hbm>> -> memref<1x64xf32, #tpu.memory_space<hbm>>
        tpu.enqueue_dma source(%dma_start3A_252 : memref<1x64xf32, #tpu.memory_space<hbm>>) target(%dma_start3A_250 : memref<1x64xf32, #tpu.memory_space<vmem>>) target_semaphore(%arg11 : memref<!tpu.dma_semaphore, #tpu.memory_space<semaphore_mem>>)
        %slice3A_253 = vector.extract_strided_slice %get3A_129 {offsets = [4], sizes = [1], strides = [1]} : vector<16xi32> to vector<1xi32>
        %squeeze3A_254 = vector.extract %slice3A_253[0] : i32 from vector<1xi32>
        %mul3A_255 = arith.constant 16 : i32
        %mul3A_256 = arith.muli %scan3A_114, %mul3A_255 : i32
        %add3A_257 = arith.constant 4 : i32
        %add3A_258 = arith.addi %mul3A_256, %add3A_257 : i32
        %dma_start3A_259 = arith.constant 0 : i32
        %dma_start3A_260 = tpu.memref_slice %arg10[%add3A_258, %dma_start3A_259] : memref<256x64xf32, #tpu.memory_space<vmem>> -> memref<1x64xf32, #tpu.memory_space<vmem>>
        %dma_start3A_261 = arith.constant 0 : i32
        %dma_start3A_262 = tpu.memref_slice %arg2[%squeeze3A_254, %dma_start3A_261] : memref<1000000x64xf32, #tpu.memory_space<hbm>> -> memref<1x64xf32, #tpu.memory_space<hbm>>
        %dma_start3A_263 = arith.constant 0 : i32
        %dma_start3A_264 = tpu.memref_slice %arg10[%add3A_258, %dma_start3A_263] : memref<256x64xf32, #tpu.memory_space<vmem>> -> memref<1x64xf32, #tpu.memory_space<vmem>>
        %dma_start3A_265 = arith.constant 0 : i32
        %dma_start3A_266 = tpu.memref_slice %arg2[%squeeze3A_254, %dma_start3A_265] : memref<1000000x64xf32, #tpu.memory_space<hbm>> -> memref<1x64xf32, #tpu.memory_space<hbm>>
        tpu.enqueue_dma source(%dma_start3A_266 : memref<1x64xf32, #tpu.memory_space<hbm>>) target(%dma_start3A_264 : memref<1x64xf32, #tpu.memory_space<vmem>>) target_semaphore(%arg15 : memref<!tpu.dma_semaphore, #tpu.memory_space<semaphore_mem>>)
        %slice3A_267 = vector.extract_strided_slice %get3A_121 {offsets = [5], sizes = [1], strides = [1]} : vector<16xi32> to vector<1xi32>
        %squeeze3A_268 = vector.extract %slice3A_267[0] : i32 from vector<1xi32>
        %mul3A_269 = arith.constant 16 : i32
        %mul3A_270 = arith.muli %scan3A_114, %mul3A_269 : i32
        %add3A_271 = arith.constant 5 : i32
        %add3A_272 = arith.addi %mul3A_270, %add3A_271 : i32
        %dma_start3A_273 = arith.constant 0 : i32
        %dma_start3A_274 = tpu.memref_slice %arg9[%add3A_272, %dma_start3A_273] : memref<256x64xf32, #tpu.memory_space<vmem>> -> memref<1x64xf32, #tpu.memory_space<vmem>>
        %dma_start3A_275 = arith.constant 0 : i32
        %dma_start3A_276 = tpu.memref_slice %arg2[%squeeze3A_268, %dma_start3A_275] : memref<1000000x64xf32, #tpu.memory_space<hbm>> -> memref<1x64xf32, #tpu.memory_space<hbm>>
        %dma_start3A_277 = arith.constant 0 : i32
        %dma_start3A_278 = tpu.memref_slice %arg9[%add3A_272, %dma_start3A_277] : memref<256x64xf32, #tpu.memory_space<vmem>> -> memref<1x64xf32, #tpu.memory_space<vmem>>
        %dma_start3A_279 = arith.constant 0 : i32
        %dma_start3A_280 = tpu.memref_slice %arg2[%squeeze3A_268, %dma_start3A_279] : memref<1000000x64xf32, #tpu.memory_space<hbm>> -> memref<1x64xf32, #tpu.memory_space<hbm>>
        tpu.enqueue_dma source(%dma_start3A_280 : memref<1x64xf32, #tpu.memory_space<hbm>>) target(%dma_start3A_278 : memref<1x64xf32, #tpu.memory_space<vmem>>) target_semaphore(%arg12 : memref<!tpu.dma_semaphore, #tpu.memory_space<semaphore_mem>>)
        %slice3A_281 = vector.extract_strided_slice %get3A_129 {offsets = [5], sizes = [1], strides = [1]} : vector<16xi32> to vector<1xi32>
        %squeeze3A_282 = vector.extract %slice3A_281[0] : i32 from vector<1xi32>
        %mul3A_283 = arith.constant 16 : i32
        %mul3A_284 = arith.muli %scan3A_114, %mul3A_283 : i32
        %add3A_285 = arith.constant 5 : i32
        %add3A_286 = arith.addi %mul3A_284, %add3A_285 : i32
        %dma_start3A_287 = arith.constant 0 : i32
        %dma_start3A_288 = tpu.memref_slice %arg10[%add3A_286, %dma_start3A_287] : memref<256x64xf32, #tpu.memory_space<vmem>> -> memref<1x64xf32, #tpu.memory_space<vmem>>
        %dma_start3A_289 = arith.constant 0 : i32
        %dma_start3A_290 = tpu.memref_slice %arg2[%squeeze3A_282, %dma_start3A_289] : memref<1000000x64xf32, #tpu.memory_space<hbm>> -> memref<1x64xf32, #tpu.memory_space<hbm>>
        %dma_start3A_291 = arith.constant 0 : i32
        %dma_start3A_292 = tpu.memref_slice %arg10[%add3A_286, %dma_start3A_291] : memref<256x64xf32, #tpu.memory_space<vmem>> -> memref<1x64xf32, #tpu.memory_space<vmem>>
        %dma_start3A_293 = arith.constant 0 : i32
        %dma_start3A_294 = tpu.memref_slice %arg2[%squeeze3A_282, %dma_start3A_293] : memref<1000000x64xf32, #tpu.memory_space<hbm>> -> memref<1x64xf32, #tpu.memory_space<hbm>>
        tpu.enqueue_dma source(%dma_start3A_294 : memref<1x64xf32, #tpu.memory_space<hbm>>) target(%dma_start3A_292 : memref<1x64xf32, #tpu.memory_space<vmem>>) target_semaphore(%arg16 : memref<!tpu.dma_semaphore, #tpu.memory_space<semaphore_mem>>)
        %slice3A_295 = vector.extract_strided_slice %get3A_121 {offsets = [6], sizes = [1], strides = [1]} : vector<16xi32> to vector<1xi32>
        %squeeze3A_296 = vector.extract %slice3A_295[0] : i32 from vector<1xi32>
        %mul3A_297 = arith.constant 16 : i32
        %mul3A_298 = arith.muli %scan3A_114, %mul3A_297 : i32
        %add3A_299 = arith.constant 6 : i32
        %add3A_300 = arith.addi %mul3A_298, %add3A_299 : i32
        %dma_start3A_301 = arith.constant 0 : i32
        %dma_start3A_302 = tpu.memref_slice %arg9[%add3A_300, %dma_start3A_301] : memref<256x64xf32, #tpu.memory_space<vmem>> -> memref<1x64xf32, #tpu.memory_space<vmem>>
        %dma_start3A_303 = arith.constant 0 : i32
        %dma_start3A_304 = tpu.memref_slice %arg2[%squeeze3A_296, %dma_start3A_303] : memref<1000000x64xf32, #tpu.memory_space<hbm>> -> memref<1x64xf32, #tpu.memory_space<hbm>>
        %dma_start3A_305 = arith.constant 0 : i32
        %dma_start3A_306 = tpu.memref_slice %arg9[%add3A_300, %dma_start3A_305] : memref<256x64xf32, #tpu.memory_space<vmem>> -> memref<1x64xf32, #tpu.memory_space<vmem>>
        %dma_start3A_307 = arith.constant 0 : i32
        %dma_start3A_308 = tpu.memref_slice %arg2[%squeeze3A_296, %dma_start3A_307] : memref<1000000x64xf32, #tpu.memory_space<hbm>> -> memref<1x64xf32, #tpu.memory_space<hbm>>
        tpu.enqueue_dma source(%dma_start3A_308 : memref<1x64xf32, #tpu.memory_space<hbm>>) target(%dma_start3A_306 : memref<1x64xf32, #tpu.memory_space<vmem>>) target_semaphore(%arg13 : memref<!tpu.dma_semaphore, #tpu.memory_space<semaphore_mem>>)
        %slice3A_309 = vector.extract_strided_slice %get3A_129 {offsets = [6], sizes = [1], strides = [1]} : vector<16xi32> to vector<1xi32>
        %squeeze3A_310 = vector.extract %slice3A_309[0] : i32 from vector<1xi32>
        %mul3A_311 = arith.constant 16 : i32
        %mul3A_312 = arith.muli %scan3A_114, %mul3A_311 : i32
        %add3A_313 = arith.constant 6 : i32
        %add3A_314 = arith.addi %mul3A_312, %add3A_313 : i32
        %dma_start3A_315 = arith.constant 0 : i32
        %dma_start3A_316 = tpu.memref_slice %arg10[%add3A_314, %dma_start3A_315] : memref<256x64xf32, #tpu.memory_space<vmem>> -> memref<1x64xf32, #tpu.memory_space<vmem>>
        %dma_start3A_317 = arith.constant 0 : i32
        %dma_start3A_318 = tpu.memref_slice %arg2[%squeeze3A_310, %dma_start3A_317] : memref<1000000x64xf32, #tpu.memory_space<hbm>> -> memref<1x64xf32, #tpu.memory_space<hbm>>
        %dma_start3A_319 = arith.constant 0 : i32
        %dma_start3A_320 = tpu.memref_slice %arg10[%add3A_314, %dma_start3A_319] : memref<256x64xf32, #tpu.memory_space<vmem>> -> memref<1x64xf32, #tpu.memory_space<vmem>>
        %dma_start3A_321 = arith.constant 0 : i32
        %dma_start3A_322 = tpu.memref_slice %arg2[%squeeze3A_310, %dma_start3A_321] : memref<1000000x64xf32, #tpu.memory_space<hbm>> -> memref<1x64xf32, #tpu.memory_space<hbm>>
        tpu.enqueue_dma source(%dma_start3A_322 : memref<1x64xf32, #tpu.memory_space<hbm>>) target(%dma_start3A_320 : memref<1x64xf32, #tpu.memory_space<vmem>>) target_semaphore(%arg17 : memref<!tpu.dma_semaphore, #tpu.memory_space<semaphore_mem>>)
        %slice3A_323 = vector.extract_strided_slice %get3A_121 {offsets = [7], sizes = [1], strides = [1]} : vector<16xi32> to vector<1xi32>
        %squeeze3A_324 = vector.extract %slice3A_323[0] : i32 from vector<1xi32>
        %mul3A_325 = arith.constant 16 : i32
        %mul3A_326 = arith.muli %scan3A_114, %mul3A_325 : i32
        %add3A_327 = arith.constant 7 : i32
        %add3A_328 = arith.addi %mul3A_326, %add3A_327 : i32
        %dma_start3A_329 = arith.constant 0 : i32
        %dma_start3A_330 = tpu.memref_slice %arg9[%add3A_328, %dma_start3A_329] : memref<256x64xf32, #tpu.memory_space<vmem>> -> memref<1x64xf32, #tpu.memory_space<vmem>>
        %dma_start3A_331 = arith.constant 0 : i32
        %dma_start3A_332 = tpu.memref_slice %arg2[%squeeze3A_324, %dma_start3A_331] : memref<1000000x64xf32, #tpu.memory_space<hbm>> -> memref<1x64xf32, #tpu.memory_space<hbm>>
        %dma_start3A_333 = arith.constant 0 : i32
        %dma_start3A_334 = tpu.memref_slice %arg9[%add3A_328, %dma_start3A_333] : memref<256x64xf32, #tpu.memory_space<vmem>> -> memref<1x64xf32, #tpu.memory_space<vmem>>
        %dma_start3A_335 = arith.constant 0 : i32
        %dma_start3A_336 = tpu.memref_slice %arg2[%squeeze3A_324, %dma_start3A_335] : memref<1000000x64xf32, #tpu.memory_space<hbm>> -> memref<1x64xf32, #tpu.memory_space<hbm>>
        tpu.enqueue_dma source(%dma_start3A_336 : memref<1x64xf32, #tpu.memory_space<hbm>>) target(%dma_start3A_334 : memref<1x64xf32, #tpu.memory_space<vmem>>) target_semaphore(%arg14 : memref<!tpu.dma_semaphore, #tpu.memory_space<semaphore_mem>>)
        %slice3A_337 = vector.extract_strided_slice %get3A_129 {offsets = [7], sizes = [1], strides = [1]} : vector<16xi32> to vector<1xi32>
        %squeeze3A_338 = vector.extract %slice3A_337[0] : i32 from vector<1xi32>
        %mul3A_339 = arith.constant 16 : i32
        %mul3A_340 = arith.muli %scan3A_114, %mul3A_339 : i32
        %add3A_341 = arith.constant 7 : i32
        %add3A_342 = arith.addi %mul3A_340, %add3A_341 : i32
        %dma_start3A_343 = arith.constant 0 : i32
        %dma_start3A_344 = tpu.memref_slice %arg10[%add3A_342, %dma_start3A_343] : memref<256x64xf32, #tpu.memory_space<vmem>> -> memref<1x64xf32, #tpu.memory_space<vmem>>
        %dma_start3A_345 = arith.constant 0 : i32
        %dma_start3A_346 = tpu.memref_slice %arg2[%squeeze3A_338, %dma_start3A_345] : memref<1000000x64xf32, #tpu.memory_space<hbm>> -> memref<1x64xf32, #tpu.memory_space<hbm>>
        %dma_start3A_347 = arith.constant 0 : i32
        %dma_start3A_348 = tpu.memref_slice %arg10[%add3A_342, %dma_start3A_347] : memref<256x64xf32, #tpu.memory_space<vmem>> -> memref<1x64xf32, #tpu.memory_space<vmem>>
        %dma_start3A_349 = arith.constant 0 : i32
        %dma_start3A_350 = tpu.memref_slice %arg2[%squeeze3A_338, %dma_start3A_349] : memref<1000000x64xf32, #tpu.memory_space<hbm>> -> memref<1x64xf32, #tpu.memory_space<hbm>>
        tpu.enqueue_dma source(%dma_start3A_350 : memref<1x64xf32, #tpu.memory_space<hbm>>) target(%dma_start3A_348 : memref<1x64xf32, #tpu.memory_space<vmem>>) target_semaphore(%arg18 : memref<!tpu.dma_semaphore, #tpu.memory_space<semaphore_mem>>)
        %slice3A_351 = vector.extract_strided_slice %get3A_121 {offsets = [8], sizes = [1], strides = [1]} : vector<16xi32> to vector<1xi32>
        %squeeze3A_352 = vector.extract %slice3A_351[0] : i32 from vector<1xi32>
        %mul3A_353 = arith.constant 16 : i32
        %mul3A_354 = arith.muli %scan3A_114, %mul3A_353 : i32
        %add3A_355 = arith.constant 8 : i32
        %add3A_356 = arith.addi %mul3A_354, %add3A_355 : i32
        %dma_start3A_357 = arith.constant 0 : i32
        %dma_start3A_358 = tpu.memref_slice %arg9[%add3A_356, %dma_start3A_357] : memref<256x64xf32, #tpu.memory_space<vmem>> -> memref<1x64xf32, #tpu.memory_space<vmem>>
        %dma_start3A_359 = arith.constant 0 : i32
        %dma_start3A_360 = tpu.memref_slice %arg2[%squeeze3A_352, %dma_start3A_359] : memref<1000000x64xf32, #tpu.memory_space<hbm>> -> memref<1x64xf32, #tpu.memory_space<hbm>>
        %dma_start3A_361 = arith.constant 0 : i32
        %dma_start3A_362 = tpu.memref_slice %arg9[%add3A_356, %dma_start3A_361] : memref<256x64xf32, #tpu.memory_space<vmem>> -> memref<1x64xf32, #tpu.memory_space<vmem>>
        %dma_start3A_363 = arith.constant 0 : i32
        %dma_start3A_364 = tpu.memref_slice %arg2[%squeeze3A_352, %dma_start3A_363] : memref<1000000x64xf32, #tpu.memory_space<hbm>> -> memref<1x64xf32, #tpu.memory_space<hbm>>
        tpu.enqueue_dma source(%dma_start3A_364 : memref<1x64xf32, #tpu.memory_space<hbm>>) target(%dma_start3A_362 : memref<1x64xf32, #tpu.memory_space<vmem>>) target_semaphore(%arg11 : memref<!tpu.dma_semaphore, #tpu.memory_space<semaphore_mem>>)
        %slice3A_365 = vector.extract_strided_slice %get3A_129 {offsets = [8], sizes = [1], strides = [1]} : vector<16xi32> to vector<1xi32>
        %squeeze3A_366 = vector.extract %slice3A_365[0] : i32 from vector<1xi32>
        %mul3A_367 = arith.constant 16 : i32
        %mul3A_368 = arith.muli %scan3A_114, %mul3A_367 : i32
        %add3A_369 = arith.constant 8 : i32
        %add3A_370 = arith.addi %mul3A_368, %add3A_369 : i32
        %dma_start3A_371 = arith.constant 0 : i32
        %dma_start3A_372 = tpu.memref_slice %arg10[%add3A_370, %dma_start3A_371] : memref<256x64xf32, #tpu.memory_space<vmem>> -> memref<1x64xf32, #tpu.memory_space<vmem>>
        %dma_start3A_373 = arith.constant 0 : i32
        %dma_start3A_374 = tpu.memref_slice %arg2[%squeeze3A_366, %dma_start3A_373] : memref<1000000x64xf32, #tpu.memory_space<hbm>> -> memref<1x64xf32, #tpu.memory_space<hbm>>
        %dma_start3A_375 = arith.constant 0 : i32
        %dma_start3A_376 = tpu.memref_slice %arg10[%add3A_370, %dma_start3A_375] : memref<256x64xf32, #tpu.memory_space<vmem>> -> memref<1x64xf32, #tpu.memory_space<vmem>>
        %dma_start3A_377 = arith.constant 0 : i32
        %dma_start3A_378 = tpu.memref_slice %arg2[%squeeze3A_366, %dma_start3A_377] : memref<1000000x64xf32, #tpu.memory_space<hbm>> -> memref<1x64xf32, #tpu.memory_space<hbm>>
        tpu.enqueue_dma source(%dma_start3A_378 : memref<1x64xf32, #tpu.memory_space<hbm>>) target(%dma_start3A_376 : memref<1x64xf32, #tpu.memory_space<vmem>>) target_semaphore(%arg15 : memref<!tpu.dma_semaphore, #tpu.memory_space<semaphore_mem>>)
        %slice3A_379 = vector.extract_strided_slice %get3A_121 {offsets = [9], sizes = [1], strides = [1]} : vector<16xi32> to vector<1xi32>
        %squeeze3A_380 = vector.extract %slice3A_379[0] : i32 from vector<1xi32>
        %mul3A_381 = arith.constant 16 : i32
        %mul3A_382 = arith.muli %scan3A_114, %mul3A_381 : i32
        %add3A_383 = arith.constant 9 : i32
        %add3A_384 = arith.addi %mul3A_382, %add3A_383 : i32
        %dma_start3A_385 = arith.constant 0 : i32
        %dma_start3A_386 = tpu.memref_slice %arg9[%add3A_384, %dma_start3A_385] : memref<256x64xf32, #tpu.memory_space<vmem>> -> memref<1x64xf32, #tpu.memory_space<vmem>>
        %dma_start3A_387 = arith.constant 0 : i32
        %dma_start3A_388 = tpu.memref_slice %arg2[%squeeze3A_380, %dma_start3A_387] : memref<1000000x64xf32, #tpu.memory_space<hbm>> -> memref<1x64xf32, #tpu.memory_space<hbm>>
        %dma_start3A_389 = arith.constant 0 : i32
        %dma_start3A_390 = tpu.memref_slice %arg9[%add3A_384, %dma_start3A_389] : memref<256x64xf32, #tpu.memory_space<vmem>> -> memref<1x64xf32, #tpu.memory_space<vmem>>
        %dma_start3A_391 = arith.constant 0 : i32
        %dma_start3A_392 = tpu.memref_slice %arg2[%squeeze3A_380, %dma_start3A_391] : memref<1000000x64xf32, #tpu.memory_space<hbm>> -> memref<1x64xf32, #tpu.memory_space<hbm>>
        tpu.enqueue_dma source(%dma_start3A_392 : memref<1x64xf32, #tpu.memory_space<hbm>>) target(%dma_start3A_390 : memref<1x64xf32, #tpu.memory_space<vmem>>) target_semaphore(%arg12 : memref<!tpu.dma_semaphore, #tpu.memory_space<semaphore_mem>>)
        %slice3A_393 = vector.extract_strided_slice %get3A_129 {offsets = [9], sizes = [1], strides = [1]} : vector<16xi32> to vector<1xi32>
        %squeeze3A_394 = vector.extract %slice3A_393[0] : i32 from vector<1xi32>
        %mul3A_395 = arith.constant 16 : i32
        %mul3A_396 = arith.muli %scan3A_114, %mul3A_395 : i32
        %add3A_397 = arith.constant 9 : i32
        %add3A_398 = arith.addi %mul3A_396, %add3A_397 : i32
        %dma_start3A_399 = arith.constant 0 : i32
        %dma_start3A_400 = tpu.memref_slice %arg10[%add3A_398, %dma_start3A_399] : memref<256x64xf32, #tpu.memory_space<vmem>> -> memref<1x64xf32, #tpu.memory_space<vmem>>
        %dma_start3A_401 = arith.constant 0 : i32
        %dma_start3A_402 = tpu.memref_slice %arg2[%squeeze3A_394, %dma_start3A_401] : memref<1000000x64xf32, #tpu.memory_space<hbm>> -> memref<1x64xf32, #tpu.memory_space<hbm>>
        %dma_start3A_403 = arith.constant 0 : i32
        %dma_start3A_404 = tpu.memref_slice %arg10[%add3A_398, %dma_start3A_403] : memref<256x64xf32, #tpu.memory_space<vmem>> -> memref<1x64xf32, #tpu.memory_space<vmem>>
        %dma_start3A_405 = arith.constant 0 : i32
        %dma_start3A_406 = tpu.memref_slice %arg2[%squeeze3A_394, %dma_start3A_405] : memref<1000000x64xf32, #tpu.memory_space<hbm>> -> memref<1x64xf32, #tpu.memory_space<hbm>>
        tpu.enqueue_dma source(%dma_start3A_406 : memref<1x64xf32, #tpu.memory_space<hbm>>) target(%dma_start3A_404 : memref<1x64xf32, #tpu.memory_space<vmem>>) target_semaphore(%arg16 : memref<!tpu.dma_semaphore, #tpu.memory_space<semaphore_mem>>)
        %slice3A_407 = vector.extract_strided_slice %get3A_121 {offsets = [10], sizes = [1], strides = [1]} : vector<16xi32> to vector<1xi32>
        %squeeze3A_408 = vector.extract %slice3A_407[0] : i32 from vector<1xi32>
        %mul3A_409 = arith.constant 16 : i32
        %mul3A_410 = arith.muli %scan3A_114, %mul3A_409 : i32
        %add3A_411 = arith.constant 10 : i32
        %add3A_412 = arith.addi %mul3A_410, %add3A_411 : i32
        %dma_start3A_413 = arith.constant 0 : i32
        %dma_start3A_414 = tpu.memref_slice %arg9[%add3A_412, %dma_start3A_413] : memref<256x64xf32, #tpu.memory_space<vmem>> -> memref<1x64xf32, #tpu.memory_space<vmem>>
        %dma_start3A_415 = arith.constant 0 : i32
        %dma_start3A_416 = tpu.memref_slice %arg2[%squeeze3A_408, %dma_start3A_415] : memref<1000000x64xf32, #tpu.memory_space<hbm>> -> memref<1x64xf32, #tpu.memory_space<hbm>>
        %dma_start3A_417 = arith.constant 0 : i32
        %dma_start3A_418 = tpu.memref_slice %arg9[%add3A_412, %dma_start3A_417] : memref<256x64xf32, #tpu.memory_space<vmem>> -> memref<1x64xf32, #tpu.memory_space<vmem>>
        %dma_start3A_419 = arith.constant 0 : i32
        %dma_start3A_420 = tpu.memref_slice %arg2[%squeeze3A_408, %dma_start3A_419] : memref<1000000x64xf32, #tpu.memory_space<hbm>> -> memref<1x64xf32, #tpu.memory_space<hbm>>
        tpu.enqueue_dma source(%dma_start3A_420 : memref<1x64xf32, #tpu.memory_space<hbm>>) target(%dma_start3A_418 : memref<1x64xf32, #tpu.memory_space<vmem>>) target_semaphore(%arg13 : memref<!tpu.dma_semaphore, #tpu.memory_space<semaphore_mem>>)
        %slice3A_421 = vector.extract_strided_slice %get3A_129 {offsets = [10], sizes = [1], strides = [1]} : vector<16xi32> to vector<1xi32>
        %squeeze3A_422 = vector.extract %slice3A_421[0] : i32 from vector<1xi32>
        %mul3A_423 = arith.constant 16 : i32
        %mul3A_424 = arith.muli %scan3A_114, %mul3A_423 : i32
        %add3A_425 = arith.constant 10 : i32
        %add3A_426 = arith.addi %mul3A_424, %add3A_425 : i32
        %dma_start3A_427 = arith.constant 0 : i32
        %dma_start3A_428 = tpu.memref_slice %arg10[%add3A_426, %dma_start3A_427] : memref<256x64xf32, #tpu.memory_space<vmem>> -> memref<1x64xf32, #tpu.memory_space<vmem>>
        %dma_start3A_429 = arith.constant 0 : i32
        %dma_start3A_430 = tpu.memref_slice %arg2[%squeeze3A_422, %dma_start3A_429] : memref<1000000x64xf32, #tpu.memory_space<hbm>> -> memref<1x64xf32, #tpu.memory_space<hbm>>
        %dma_start3A_431 = arith.constant 0 : i32
        %dma_start3A_432 = tpu.memref_slice %arg10[%add3A_426, %dma_start3A_431] : memref<256x64xf32, #tpu.memory_space<vmem>> -> memref<1x64xf32, #tpu.memory_space<vmem>>
        %dma_start3A_433 = arith.constant 0 : i32
        %dma_start3A_434 = tpu.memref_slice %arg2[%squeeze3A_422, %dma_start3A_433] : memref<1000000x64xf32, #tpu.memory_space<hbm>> -> memref<1x64xf32, #tpu.memory_space<hbm>>
        tpu.enqueue_dma source(%dma_start3A_434 : memref<1x64xf32, #tpu.memory_space<hbm>>) target(%dma_start3A_432 : memref<1x64xf32, #tpu.memory_space<vmem>>) target_semaphore(%arg17 : memref<!tpu.dma_semaphore, #tpu.memory_space<semaphore_mem>>)
        %slice3A_435 = vector.extract_strided_slice %get3A_121 {offsets = [11], sizes = [1], strides = [1]} : vector<16xi32> to vector<1xi32>
        %squeeze3A_436 = vector.extract %slice3A_435[0] : i32 from vector<1xi32>
        %mul3A_437 = arith.constant 16 : i32
        %mul3A_438 = arith.muli %scan3A_114, %mul3A_437 : i32
        %add3A_439 = arith.constant 11 : i32
        %add3A_440 = arith.addi %mul3A_438, %add3A_439 : i32
        %dma_start3A_441 = arith.constant 0 : i32
        %dma_start3A_442 = tpu.memref_slice %arg9[%add3A_440, %dma_start3A_441] : memref<256x64xf32, #tpu.memory_space<vmem>> -> memref<1x64xf32, #tpu.memory_space<vmem>>
        %dma_start3A_443 = arith.constant 0 : i32
        %dma_start3A_444 = tpu.memref_slice %arg2[%squeeze3A_436, %dma_start3A_443] : memref<1000000x64xf32, #tpu.memory_space<hbm>> -> memref<1x64xf32, #tpu.memory_space<hbm>>
        %dma_start3A_445 = arith.constant 0 : i32
        %dma_start3A_446 = tpu.memref_slice %arg9[%add3A_440, %dma_start3A_445] : memref<256x64xf32, #tpu.memory_space<vmem>> -> memref<1x64xf32, #tpu.memory_space<vmem>>
        %dma_start3A_447 = arith.constant 0 : i32
        %dma_start3A_448 = tpu.memref_slice %arg2[%squeeze3A_436, %dma_start3A_447] : memref<1000000x64xf32, #tpu.memory_space<hbm>> -> memref<1x64xf32, #tpu.memory_space<hbm>>
        tpu.enqueue_dma source(%dma_start3A_448 : memref<1x64xf32, #tpu.memory_space<hbm>>) target(%dma_start3A_446 : memref<1x64xf32, #tpu.memory_space<vmem>>) target_semaphore(%arg14 : memref<!tpu.dma_semaphore, #tpu.memory_space<semaphore_mem>>)
        %slice3A_449 = vector.extract_strided_slice %get3A_129 {offsets = [11], sizes = [1], strides = [1]} : vector<16xi32> to vector<1xi32>
        %squeeze3A_450 = vector.extract %slice3A_449[0] : i32 from vector<1xi32>
        %mul3A_451 = arith.constant 16 : i32
        %mul3A_452 = arith.muli %scan3A_114, %mul3A_451 : i32
        %add3A_453 = arith.constant 11 : i32
        %add3A_454 = arith.addi %mul3A_452, %add3A_453 : i32
        %dma_start3A_455 = arith.constant 0 : i32
        %dma_start3A_456 = tpu.memref_slice %arg10[%add3A_454, %dma_start3A_455] : memref<256x64xf32, #tpu.memory_space<vmem>> -> memref<1x64xf32, #tpu.memory_space<vmem>>
        %dma_start3A_457 = arith.constant 0 : i32
        %dma_start3A_458 = tpu.memref_slice %arg2[%squeeze3A_450, %dma_start3A_457] : memref<1000000x64xf32, #tpu.memory_space<hbm>> -> memref<1x64xf32, #tpu.memory_space<hbm>>
        %dma_start3A_459 = arith.constant 0 : i32
        %dma_start3A_460 = tpu.memref_slice %arg10[%add3A_454, %dma_start3A_459] : memref<256x64xf32, #tpu.memory_space<vmem>> -> memref<1x64xf32, #tpu.memory_space<vmem>>
        %dma_start3A_461 = arith.constant 0 : i32
        %dma_start3A_462 = tpu.memref_slice %arg2[%squeeze3A_450, %dma_start3A_461] : memref<1000000x64xf32, #tpu.memory_space<hbm>> -> memref<1x64xf32, #tpu.memory_space<hbm>>
        tpu.enqueue_dma source(%dma_start3A_462 : memref<1x64xf32, #tpu.memory_space<hbm>>) target(%dma_start3A_460 : memref<1x64xf32, #tpu.memory_space<vmem>>) target_semaphore(%arg18 : memref<!tpu.dma_semaphore, #tpu.memory_space<semaphore_mem>>)
        %slice3A_463 = vector.extract_strided_slice %get3A_121 {offsets = [12], sizes = [1], strides = [1]} : vector<16xi32> to vector<1xi32>
        %squeeze3A_464 = vector.extract %slice3A_463[0] : i32 from vector<1xi32>
        %mul3A_465 = arith.constant 16 : i32
        %mul3A_466 = arith.muli %scan3A_114, %mul3A_465 : i32
        %add3A_467 = arith.constant 12 : i32
        %add3A_468 = arith.addi %mul3A_466, %add3A_467 : i32
        %dma_start3A_469 = arith.constant 0 : i32
        %dma_start3A_470 = tpu.memref_slice %arg9[%add3A_468, %dma_start3A_469] : memref<256x64xf32, #tpu.memory_space<vmem>> -> memref<1x64xf32, #tpu.memory_space<vmem>>
        %dma_start3A_471 = arith.constant 0 : i32
        %dma_start3A_472 = tpu.memref_slice %arg2[%squeeze3A_464, %dma_start3A_471] : memref<1000000x64xf32, #tpu.memory_space<hbm>> -> memref<1x64xf32, #tpu.memory_space<hbm>>
        %dma_start3A_473 = arith.constant 0 : i32
        %dma_start3A_474 = tpu.memref_slice %arg9[%add3A_468, %dma_start3A_473] : memref<256x64xf32, #tpu.memory_space<vmem>> -> memref<1x64xf32, #tpu.memory_space<vmem>>
        %dma_start3A_475 = arith.constant 0 : i32
        %dma_start3A_476 = tpu.memref_slice %arg2[%squeeze3A_464, %dma_start3A_475] : memref<1000000x64xf32, #tpu.memory_space<hbm>> -> memref<1x64xf32, #tpu.memory_space<hbm>>
        tpu.enqueue_dma source(%dma_start3A_476 : memref<1x64xf32, #tpu.memory_space<hbm>>) target(%dma_start3A_474 : memref<1x64xf32, #tpu.memory_space<vmem>>) target_semaphore(%arg11 : memref<!tpu.dma_semaphore, #tpu.memory_space<semaphore_mem>>)
        %slice3A_477 = vector.extract_strided_slice %get3A_129 {offsets = [12], sizes = [1], strides = [1]} : vector<16xi32> to vector<1xi32>
        %squeeze3A_478 = vector.extract %slice3A_477[0] : i32 from vector<1xi32>
        %mul3A_479 = arith.constant 16 : i32
        %mul3A_480 = arith.muli %scan3A_114, %mul3A_479 : i32
        %add3A_481 = arith.constant 12 : i32
        %add3A_482 = arith.addi %mul3A_480, %add3A_481 : i32
        %dma_start3A_483 = arith.constant 0 : i32
        %dma_start3A_484 = tpu.memref_slice %arg10[%add3A_482, %dma_start3A_483] : memref<256x64xf32, #tpu.memory_space<vmem>> -> memref<1x64xf32, #tpu.memory_space<vmem>>
        %dma_start3A_485 = arith.constant 0 : i32
        %dma_start3A_486 = tpu.memref_slice %arg2[%squeeze3A_478, %dma_start3A_485] : memref<1000000x64xf32, #tpu.memory_space<hbm>> -> memref<1x64xf32, #tpu.memory_space<hbm>>
        %dma_start3A_487 = arith.constant 0 : i32
        %dma_start3A_488 = tpu.memref_slice %arg10[%add3A_482, %dma_start3A_487] : memref<256x64xf32, #tpu.memory_space<vmem>> -> memref<1x64xf32, #tpu.memory_space<vmem>>
        %dma_start3A_489 = arith.constant 0 : i32
        %dma_start3A_490 = tpu.memref_slice %arg2[%squeeze3A_478, %dma_start3A_489] : memref<1000000x64xf32, #tpu.memory_space<hbm>> -> memref<1x64xf32, #tpu.memory_space<hbm>>
        tpu.enqueue_dma source(%dma_start3A_490 : memref<1x64xf32, #tpu.memory_space<hbm>>) target(%dma_start3A_488 : memref<1x64xf32, #tpu.memory_space<vmem>>) target_semaphore(%arg15 : memref<!tpu.dma_semaphore, #tpu.memory_space<semaphore_mem>>)
        %slice3A_491 = vector.extract_strided_slice %get3A_121 {offsets = [13], sizes = [1], strides = [1]} : vector<16xi32> to vector<1xi32>
        %squeeze3A_492 = vector.extract %slice3A_491[0] : i32 from vector<1xi32>
        %mul3A_493 = arith.constant 16 : i32
        %mul3A_494 = arith.muli %scan3A_114, %mul3A_493 : i32
        %add3A_495 = arith.constant 13 : i32
        %add3A_496 = arith.addi %mul3A_494, %add3A_495 : i32
        %dma_start3A_497 = arith.constant 0 : i32
        %dma_start3A_498 = tpu.memref_slice %arg9[%add3A_496, %dma_start3A_497] : memref<256x64xf32, #tpu.memory_space<vmem>> -> memref<1x64xf32, #tpu.memory_space<vmem>>
        %dma_start3A_499 = arith.constant 0 : i32
        %dma_start3A_500 = tpu.memref_slice %arg2[%squeeze3A_492, %dma_start3A_499] : memref<1000000x64xf32, #tpu.memory_space<hbm>> -> memref<1x64xf32, #tpu.memory_space<hbm>>
        %dma_start3A_501 = arith.constant 0 : i32
        %dma_start3A_502 = tpu.memref_slice %arg9[%add3A_496, %dma_start3A_501] : memref<256x64xf32, #tpu.memory_space<vmem>> -> memref<1x64xf32, #tpu.memory_space<vmem>>
        %dma_start3A_503 = arith.constant 0 : i32
        %dma_start3A_504 = tpu.memref_slice %arg2[%squeeze3A_492, %dma_start3A_503] : memref<1000000x64xf32, #tpu.memory_space<hbm>> -> memref<1x64xf32, #tpu.memory_space<hbm>>
        tpu.enqueue_dma source(%dma_start3A_504 : memref<1x64xf32, #tpu.memory_space<hbm>>) target(%dma_start3A_502 : memref<1x64xf32, #tpu.memory_space<vmem>>) target_semaphore(%arg12 : memref<!tpu.dma_semaphore, #tpu.memory_space<semaphore_mem>>)
        %slice3A_505 = vector.extract_strided_slice %get3A_129 {offsets = [13], sizes = [1], strides = [1]} : vector<16xi32> to vector<1xi32>
        %squeeze3A_506 = vector.extract %slice3A_505[0] : i32 from vector<1xi32>
        %mul3A_507 = arith.constant 16 : i32
        %mul3A_508 = arith.muli %scan3A_114, %mul3A_507 : i32
        %add3A_509 = arith.constant 13 : i32
        %add3A_510 = arith.addi %mul3A_508, %add3A_509 : i32
        %dma_start3A_511 = arith.constant 0 : i32
        %dma_start3A_512 = tpu.memref_slice %arg10[%add3A_510, %dma_start3A_511] : memref<256x64xf32, #tpu.memory_space<vmem>> -> memref<1x64xf32, #tpu.memory_space<vmem>>
        %dma_start3A_513 = arith.constant 0 : i32
        %dma_start3A_514 = tpu.memref_slice %arg2[%squeeze3A_506, %dma_start3A_513] : memref<1000000x64xf32, #tpu.memory_space<hbm>> -> memref<1x64xf32, #tpu.memory_space<hbm>>
        %dma_start3A_515 = arith.constant 0 : i32
        %dma_start3A_516 = tpu.memref_slice %arg10[%add3A_510, %dma_start3A_515] : memref<256x64xf32, #tpu.memory_space<vmem>> -> memref<1x64xf32, #tpu.memory_space<vmem>>
        %dma_start3A_517 = arith.constant 0 : i32
        %dma_start3A_518 = tpu.memref_slice %arg2[%squeeze3A_506, %dma_start3A_517] : memref<1000000x64xf32, #tpu.memory_space<hbm>> -> memref<1x64xf32, #tpu.memory_space<hbm>>
        tpu.enqueue_dma source(%dma_start3A_518 : memref<1x64xf32, #tpu.memory_space<hbm>>) target(%dma_start3A_516 : memref<1x64xf32, #tpu.memory_space<vmem>>) target_semaphore(%arg16 : memref<!tpu.dma_semaphore, #tpu.memory_space<semaphore_mem>>)
        %slice3A_519 = vector.extract_strided_slice %get3A_121 {offsets = [14], sizes = [1], strides = [1]} : vector<16xi32> to vector<1xi32>
        %squeeze3A_520 = vector.extract %slice3A_519[0] : i32 from vector<1xi32>
        %mul3A_521 = arith.constant 16 : i32
        %mul3A_522 = arith.muli %scan3A_114, %mul3A_521 : i32
        %add3A_523 = arith.constant 14 : i32
        %add3A_524 = arith.addi %mul3A_522, %add3A_523 : i32
        %dma_start3A_525 = arith.constant 0 : i32
        %dma_start3A_526 = tpu.memref_slice %arg9[%add3A_524, %dma_start3A_525] : memref<256x64xf32, #tpu.memory_space<vmem>> -> memref<1x64xf32, #tpu.memory_space<vmem>>
        %dma_start3A_527 = arith.constant 0 : i32
        %dma_start3A_528 = tpu.memref_slice %arg2[%squeeze3A_520, %dma_start3A_527] : memref<1000000x64xf32, #tpu.memory_space<hbm>> -> memref<1x64xf32, #tpu.memory_space<hbm>>
        %dma_start3A_529 = arith.constant 0 : i32
        %dma_start3A_530 = tpu.memref_slice %arg9[%add3A_524, %dma_start3A_529] : memref<256x64xf32, #tpu.memory_space<vmem>> -> memref<1x64xf32, #tpu.memory_space<vmem>>
        %dma_start3A_531 = arith.constant 0 : i32
        %dma_start3A_532 = tpu.memref_slice %arg2[%squeeze3A_520, %dma_start3A_531] : memref<1000000x64xf32, #tpu.memory_space<hbm>> -> memref<1x64xf32, #tpu.memory_space<hbm>>
        tpu.enqueue_dma source(%dma_start3A_532 : memref<1x64xf32, #tpu.memory_space<hbm>>) target(%dma_start3A_530 : memref<1x64xf32, #tpu.memory_space<vmem>>) target_semaphore(%arg13 : memref<!tpu.dma_semaphore, #tpu.memory_space<semaphore_mem>>)
        %slice3A_533 = vector.extract_strided_slice %get3A_129 {offsets = [14], sizes = [1], strides = [1]} : vector<16xi32> to vector<1xi32>
        %squeeze3A_534 = vector.extract %slice3A_533[0] : i32 from vector<1xi32>
        %mul3A_535 = arith.constant 16 : i32
        %mul3A_536 = arith.muli %scan3A_114, %mul3A_535 : i32
        %add3A_537 = arith.constant 14 : i32
        %add3A_538 = arith.addi %mul3A_536, %add3A_537 : i32
        %dma_start3A_539 = arith.constant 0 : i32
        %dma_start3A_540 = tpu.memref_slice %arg10[%add3A_538, %dma_start3A_539] : memref<256x64xf32, #tpu.memory_space<vmem>> -> memref<1x64xf32, #tpu.memory_space<vmem>>
        %dma_start3A_541 = arith.constant 0 : i32
        %dma_start3A_542 = tpu.memref_slice %arg2[%squeeze3A_534, %dma_start3A_541] : memref<1000000x64xf32, #tpu.memory_space<hbm>> -> memref<1x64xf32, #tpu.memory_space<hbm>>
        %dma_start3A_543 = arith.constant 0 : i32
        %dma_start3A_544 = tpu.memref_slice %arg10[%add3A_538, %dma_start3A_543] : memref<256x64xf32, #tpu.memory_space<vmem>> -> memref<1x64xf32, #tpu.memory_space<vmem>>
        %dma_start3A_545 = arith.constant 0 : i32
        %dma_start3A_546 = tpu.memref_slice %arg2[%squeeze3A_534, %dma_start3A_545] : memref<1000000x64xf32, #tpu.memory_space<hbm>> -> memref<1x64xf32, #tpu.memory_space<hbm>>
        tpu.enqueue_dma source(%dma_start3A_546 : memref<1x64xf32, #tpu.memory_space<hbm>>) target(%dma_start3A_544 : memref<1x64xf32, #tpu.memory_space<vmem>>) target_semaphore(%arg17 : memref<!tpu.dma_semaphore, #tpu.memory_space<semaphore_mem>>)
        %slice3A_547 = vector.extract_strided_slice %get3A_121 {offsets = [15], sizes = [1], strides = [1]} : vector<16xi32> to vector<1xi32>
        %squeeze3A_548 = vector.extract %slice3A_547[0] : i32 from vector<1xi32>
        %mul3A_549 = arith.constant 16 : i32
        %mul3A_550 = arith.muli %scan3A_114, %mul3A_549 : i32
        %add3A_551 = arith.constant 15 : i32
        %add3A_552 = arith.addi %mul3A_550, %add3A_551 : i32
        %dma_start3A_553 = arith.constant 0 : i32
        %dma_start3A_554 = tpu.memref_slice %arg9[%add3A_552, %dma_start3A_553] : memref<256x64xf32, #tpu.memory_space<vmem>> -> memref<1x64xf32, #tpu.memory_space<vmem>>
        %dma_start3A_555 = arith.constant 0 : i32
        %dma_start3A_556 = tpu.memref_slice %arg2[%squeeze3A_548, %dma_start3A_555] : memref<1000000x64xf32, #tpu.memory_space<hbm>> -> memref<1x64xf32, #tpu.memory_space<hbm>>
        %dma_start3A_557 = arith.constant 0 : i32
        %dma_start3A_558 = tpu.memref_slice %arg9[%add3A_552, %dma_start3A_557] : memref<256x64xf32, #tpu.memory_space<vmem>> -> memref<1x64xf32, #tpu.memory_space<vmem>>
        %dma_start3A_559 = arith.constant 0 : i32
        %dma_start3A_560 = tpu.memref_slice %arg2[%squeeze3A_548, %dma_start3A_559] : memref<1000000x64xf32, #tpu.memory_space<hbm>> -> memref<1x64xf32, #tpu.memory_space<hbm>>
        tpu.enqueue_dma source(%dma_start3A_560 : memref<1x64xf32, #tpu.memory_space<hbm>>) target(%dma_start3A_558 : memref<1x64xf32, #tpu.memory_space<vmem>>) target_semaphore(%arg14 : memref<!tpu.dma_semaphore, #tpu.memory_space<semaphore_mem>>)
        %slice3A_561 = vector.extract_strided_slice %get3A_129 {offsets = [15], sizes = [1], strides = [1]} : vector<16xi32> to vector<1xi32>
        %squeeze3A_562 = vector.extract %slice3A_561[0] : i32 from vector<1xi32>
        %mul3A_563 = arith.constant 16 : i32
        %mul3A_564 = arith.muli %scan3A_114, %mul3A_563 : i32
        %add3A_565 = arith.constant 15 : i32
        %add3A_566 = arith.addi %mul3A_564, %add3A_565 : i32
        %dma_start3A_567 = arith.constant 0 : i32
        %dma_start3A_568 = tpu.memref_slice %arg10[%add3A_566, %dma_start3A_567] : memref<256x64xf32, #tpu.memory_space<vmem>> -> memref<1x64xf32, #tpu.memory_space<vmem>>
        %dma_start3A_569 = arith.constant 0 : i32
        %dma_start3A_570 = tpu.memref_slice %arg2[%squeeze3A_562, %dma_start3A_569] : memref<1000000x64xf32, #tpu.memory_space<hbm>> -> memref<1x64xf32, #tpu.memory_space<hbm>>
        %dma_start3A_571 = arith.constant 0 : i32
        %dma_start3A_572 = tpu.memref_slice %arg10[%add3A_566, %dma_start3A_571] : memref<256x64xf32, #tpu.memory_space<vmem>> -> memref<1x64xf32, #tpu.memory_space<vmem>>
        %dma_start3A_573 = arith.constant 0 : i32
        %dma_start3A_574 = tpu.memref_slice %arg2[%squeeze3A_562, %dma_start3A_573] : memref<1000000x64xf32, #tpu.memory_space<hbm>> -> memref<1x64xf32, #tpu.memory_space<hbm>>
        tpu.enqueue_dma source(%dma_start3A_574 : memref<1x64xf32, #tpu.memory_space<hbm>>) target(%dma_start3A_572 : memref<1x64xf32, #tpu.memory_space<vmem>>) target_semaphore(%arg18 : memref<!tpu.dma_semaphore, #tpu.memory_space<semaphore_mem>>)
      }
      %scan3A_12 = arith.constant 16 : i32
      %dma_wait3A = arith.constant 0 : i32
      %dma_wait3A_13 = arith.constant 0 : i32
      %dma_wait3A_14 = tpu.memref_slice %arg9[%dma_wait3A, %dma_wait3A_13] : memref<256x64xf32, #tpu.memory_space<vmem>> -> memref<64x64xf32, #tpu.memory_space<vmem>>
      %dma_wait3A_15 = arith.constant 0 : i32
      %dma_wait3A_16 = arith.constant 0 : i32
      %dma_wait3A_17 = tpu.memref_slice %arg2[%dma_wait3A_15, %dma_wait3A_16] : memref<1000000x64xf32, #tpu.memory_space<hbm>> -> memref<64x64xf32, #tpu.memory_space<hbm>>
      %dma_wait3A_18 = arith.constant 0 : i32
      %dma_wait3A_19 = arith.constant 0 : i32
      %dma_wait3A_20 = tpu.memref_slice %arg9[%dma_wait3A_18, %dma_wait3A_19] : memref<256x64xf32, #tpu.memory_space<vmem>> -> memref<64x64xf32, #tpu.memory_space<vmem>>
      %dma_wait3A_21 = arith.constant 0 : i32
      %dma_wait3A_22 = arith.constant 0 : i32
      %dma_wait3A_23 = tpu.memref_slice %arg2[%dma_wait3A_21, %dma_wait3A_22] : memref<1000000x64xf32, #tpu.memory_space<hbm>> -> memref<64x64xf32, #tpu.memory_space<hbm>>
      tpu.wait_dma2 semaphore(%arg11 : memref<!tpu.dma_semaphore, #tpu.memory_space<semaphore_mem>>) src(%dma_wait3A_23 : memref<64x64xf32, #tpu.memory_space<hbm>>) dst(%dma_wait3A_20 : memref<64x64xf32, #tpu.memory_space<vmem>>)
      %dma_wait3A_24 = arith.constant 0 : i32
      %dma_wait3A_25 = arith.constant 0 : i32
      %dma_wait3A_26 = tpu.memref_slice %arg10[%dma_wait3A_24, %dma_wait3A_25] : memref<256x64xf32, #tpu.memory_space<vmem>> -> memref<64x64xf32, #tpu.memory_space<vmem>>
      %dma_wait3A_27 = arith.constant 0 : i32
      %dma_wait3A_28 = arith.constant 0 : i32
      %dma_wait3A_29 = tpu.memref_slice %arg2[%dma_wait3A_27, %dma_wait3A_28] : memref<1000000x64xf32, #tpu.memory_space<hbm>> -> memref<64x64xf32, #tpu.memory_space<hbm>>
      %dma_wait3A_30 = arith.constant 0 : i32
      %dma_wait3A_31 = arith.constant 0 : i32
      %dma_wait3A_32 = tpu.memref_slice %arg10[%dma_wait3A_30, %dma_wait3A_31] : memref<256x64xf32, #tpu.memory_space<vmem>> -> memref<64x64xf32, #tpu.memory_space<vmem>>
      %dma_wait3A_33 = arith.constant 0 : i32
      %dma_wait3A_34 = arith.constant 0 : i32
      %dma_wait3A_35 = tpu.memref_slice %arg2[%dma_wait3A_33, %dma_wait3A_34] : memref<1000000x64xf32, #tpu.memory_space<hbm>> -> memref<64x64xf32, #tpu.memory_space<hbm>>
      tpu.wait_dma2 semaphore(%arg15 : memref<!tpu.dma_semaphore, #tpu.memory_space<semaphore_mem>>) src(%dma_wait3A_35 : memref<64x64xf32, #tpu.memory_space<hbm>>) dst(%dma_wait3A_32 : memref<64x64xf32, #tpu.memory_space<vmem>>)
      %dma_wait3A_36 = arith.constant 0 : i32
      %dma_wait3A_37 = arith.constant 0 : i32
      %dma_wait3A_38 = tpu.memref_slice %arg9[%dma_wait3A_36, %dma_wait3A_37] : memref<256x64xf32, #tpu.memory_space<vmem>> -> memref<64x64xf32, #tpu.memory_space<vmem>>
      %dma_wait3A_39 = arith.constant 0 : i32
      %dma_wait3A_40 = arith.constant 0 : i32
      %dma_wait3A_41 = tpu.memref_slice %arg2[%dma_wait3A_39, %dma_wait3A_40] : memref<1000000x64xf32, #tpu.memory_space<hbm>> -> memref<64x64xf32, #tpu.memory_space<hbm>>
      %dma_wait3A_42 = arith.constant 0 : i32
      %dma_wait3A_43 = arith.constant 0 : i32
      %dma_wait3A_44 = tpu.memref_slice %arg9[%dma_wait3A_42, %dma_wait3A_43] : memref<256x64xf32, #tpu.memory_space<vmem>> -> memref<64x64xf32, #tpu.memory_space<vmem>>
      %dma_wait3A_45 = arith.constant 0 : i32
      %dma_wait3A_46 = arith.constant 0 : i32
      %dma_wait3A_47 = tpu.memref_slice %arg2[%dma_wait3A_45, %dma_wait3A_46] : memref<1000000x64xf32, #tpu.memory_space<hbm>> -> memref<64x64xf32, #tpu.memory_space<hbm>>
      tpu.wait_dma2 semaphore(%arg12 : memref<!tpu.dma_semaphore, #tpu.memory_space<semaphore_mem>>) src(%dma_wait3A_47 : memref<64x64xf32, #tpu.memory_space<hbm>>) dst(%dma_wait3A_44 : memref<64x64xf32, #tpu.memory_space<vmem>>)
      %dma_wait3A_48 = arith.constant 0 : i32
      %dma_wait3A_49 = arith.constant 0 : i32
      %dma_wait3A_50 = tpu.memref_slice %arg10[%dma_wait3A_48, %dma_wait3A_49] : memref<256x64xf32, #tpu.memory_space<vmem>> -> memref<64x64xf32, #tpu.memory_space<vmem>>
      %dma_wait3A_51 = arith.constant 0 : i32
      %dma_wait3A_52 = arith.constant 0 : i32
      %dma_wait3A_53 = tpu.memref_slice %arg2[%dma_wait3A_51, %dma_wait3A_52] : memref<1000000x64xf32, #tpu.memory_space<hbm>> -> memref<64x64xf32, #tpu.memory_space<hbm>>
      %dma_wait3A_54 = arith.constant 0 : i32
      %dma_wait3A_55 = arith.constant 0 : i32
      %dma_wait3A_56 = tpu.memref_slice %arg10[%dma_wait3A_54, %dma_wait3A_55] : memref<256x64xf32, #tpu.memory_space<vmem>> -> memref<64x64xf32, #tpu.memory_space<vmem>>
      %dma_wait3A_57 = arith.constant 0 : i32
      %dma_wait3A_58 = arith.constant 0 : i32
      %dma_wait3A_59 = tpu.memref_slice %arg2[%dma_wait3A_57, %dma_wait3A_58] : memref<1000000x64xf32, #tpu.memory_space<hbm>> -> memref<64x64xf32, #tpu.memory_space<hbm>>
      tpu.wait_dma2 semaphore(%arg16 : memref<!tpu.dma_semaphore, #tpu.memory_space<semaphore_mem>>) src(%dma_wait3A_59 : memref<64x64xf32, #tpu.memory_space<hbm>>) dst(%dma_wait3A_56 : memref<64x64xf32, #tpu.memory_space<vmem>>)
      %dma_wait3A_60 = arith.constant 0 : i32
      %dma_wait3A_61 = arith.constant 0 : i32
      %dma_wait3A_62 = tpu.memref_slice %arg9[%dma_wait3A_60, %dma_wait3A_61] : memref<256x64xf32, #tpu.memory_space<vmem>> -> memref<64x64xf32, #tpu.memory_space<vmem>>
      %dma_wait3A_63 = arith.constant 0 : i32
      %dma_wait3A_64 = arith.constant 0 : i32
      %dma_wait3A_65 = tpu.memref_slice %arg2[%dma_wait3A_63, %dma_wait3A_64] : memref<1000000x64xf32, #tpu.memory_space<hbm>> -> memref<64x64xf32, #tpu.memory_space<hbm>>
      %dma_wait3A_66 = arith.constant 0 : i32
      %dma_wait3A_67 = arith.constant 0 : i32
      %dma_wait3A_68 = tpu.memref_slice %arg9[%dma_wait3A_66, %dma_wait3A_67] : memref<256x64xf32, #tpu.memory_space<vmem>> -> memref<64x64xf32, #tpu.memory_space<vmem>>
      %dma_wait3A_69 = arith.constant 0 : i32
      %dma_wait3A_70 = arith.constant 0 : i32
      %dma_wait3A_71 = tpu.memref_slice %arg2[%dma_wait3A_69, %dma_wait3A_70] : memref<1000000x64xf32, #tpu.memory_space<hbm>> -> memref<64x64xf32, #tpu.memory_space<hbm>>
      tpu.wait_dma2 semaphore(%arg13 : memref<!tpu.dma_semaphore, #tpu.memory_space<semaphore_mem>>) src(%dma_wait3A_71 : memref<64x64xf32, #tpu.memory_space<hbm>>) dst(%dma_wait3A_68 : memref<64x64xf32, #tpu.memory_space<vmem>>)
      %dma_wait3A_72 = arith.constant 0 : i32
      %dma_wait3A_73 = arith.constant 0 : i32
      %dma_wait3A_74 = tpu.memref_slice %arg10[%dma_wait3A_72, %dma_wait3A_73] : memref<256x64xf32, #tpu.memory_space<vmem>> -> memref<64x64xf32, #tpu.memory_space<vmem>>
      %dma_wait3A_75 = arith.constant 0 : i32
      %dma_wait3A_76 = arith.constant 0 : i32
      %dma_wait3A_77 = tpu.memref_slice %arg2[%dma_wait3A_75, %dma_wait3A_76] : memref<1000000x64xf32, #tpu.memory_space<hbm>> -> memref<64x64xf32, #tpu.memory_space<hbm>>
      %dma_wait3A_78 = arith.constant 0 : i32
      %dma_wait3A_79 = arith.constant 0 : i32
      %dma_wait3A_80 = tpu.memref_slice %arg10[%dma_wait3A_78, %dma_wait3A_79] : memref<256x64xf32, #tpu.memory_space<vmem>> -> memref<64x64xf32, #tpu.memory_space<vmem>>
      %dma_wait3A_81 = arith.constant 0 : i32
      %dma_wait3A_82 = arith.constant 0 : i32
      %dma_wait3A_83 = tpu.memref_slice %arg2[%dma_wait3A_81, %dma_wait3A_82] : memref<1000000x64xf32, #tpu.memory_space<hbm>> -> memref<64x64xf32, #tpu.memory_space<hbm>>
      tpu.wait_dma2 semaphore(%arg17 : memref<!tpu.dma_semaphore, #tpu.memory_space<semaphore_mem>>) src(%dma_wait3A_83 : memref<64x64xf32, #tpu.memory_space<hbm>>) dst(%dma_wait3A_80 : memref<64x64xf32, #tpu.memory_space<vmem>>)
      %dma_wait3A_84 = arith.constant 0 : i32
      %dma_wait3A_85 = arith.constant 0 : i32
      %dma_wait3A_86 = tpu.memref_slice %arg9[%dma_wait3A_84, %dma_wait3A_85] : memref<256x64xf32, #tpu.memory_space<vmem>> -> memref<64x64xf32, #tpu.memory_space<vmem>>
      %dma_wait3A_87 = arith.constant 0 : i32
      %dma_wait3A_88 = arith.constant 0 : i32
      %dma_wait3A_89 = tpu.memref_slice %arg2[%dma_wait3A_87, %dma_wait3A_88] : memref<1000000x64xf32, #tpu.memory_space<hbm>> -> memref<64x64xf32, #tpu.memory_space<hbm>>
      %dma_wait3A_90 = arith.constant 0 : i32
      %dma_wait3A_91 = arith.constant 0 : i32
      %dma_wait3A_92 = tpu.memref_slice %arg9[%dma_wait3A_90, %dma_wait3A_91] : memref<256x64xf32, #tpu.memory_space<vmem>> -> memref<64x64xf32, #tpu.memory_space<vmem>>
      %dma_wait3A_93 = arith.constant 0 : i32
      %dma_wait3A_94 = arith.constant 0 : i32
      %dma_wait3A_95 = tpu.memref_slice %arg2[%dma_wait3A_93, %dma_wait3A_94] : memref<1000000x64xf32, #tpu.memory_space<hbm>> -> memref<64x64xf32, #tpu.memory_space<hbm>>
      tpu.wait_dma2 semaphore(%arg14 : memref<!tpu.dma_semaphore, #tpu.memory_space<semaphore_mem>>) src(%dma_wait3A_95 : memref<64x64xf32, #tpu.memory_space<hbm>>) dst(%dma_wait3A_92 : memref<64x64xf32, #tpu.memory_space<vmem>>)
      %dma_wait3A_96 = arith.constant 0 : i32
      %dma_wait3A_97 = arith.constant 0 : i32
      %dma_wait3A_98 = tpu.memref_slice %arg10[%dma_wait3A_96, %dma_wait3A_97] : memref<256x64xf32, #tpu.memory_space<vmem>> -> memref<64x64xf32, #tpu.memory_space<vmem>>
      %dma_wait3A_99 = arith.constant 0 : i32
      %dma_wait3A_100 = arith.constant 0 : i32
      %dma_wait3A_101 = tpu.memref_slice %arg2[%dma_wait3A_99, %dma_wait3A_100] : memref<1000000x64xf32, #tpu.memory_space<hbm>> -> memref<64x64xf32, #tpu.memory_space<hbm>>
      %dma_wait3A_102 = arith.constant 0 : i32
      %dma_wait3A_103 = arith.constant 0 : i32
      %dma_wait3A_104 = tpu.memref_slice %arg10[%dma_wait3A_102, %dma_wait3A_103] : memref<256x64xf32, #tpu.memory_space<vmem>> -> memref<64x64xf32, #tpu.memory_space<vmem>>
      %dma_wait3A_105 = arith.constant 0 : i32
      %dma_wait3A_106 = arith.constant 0 : i32
      %dma_wait3A_107 = tpu.memref_slice %arg2[%dma_wait3A_105, %dma_wait3A_106] : memref<1000000x64xf32, #tpu.memory_space<hbm>> -> memref<64x64xf32, #tpu.memory_space<hbm>>
      tpu.wait_dma2 semaphore(%arg18 : memref<!tpu.dma_semaphore, #tpu.memory_space<semaphore_mem>>) src(%dma_wait3A_107 : memref<64x64xf32, #tpu.memory_space<hbm>>) dst(%dma_wait3A_104 : memref<64x64xf32, #tpu.memory_space<vmem>>)
      %mul3A_108 = arith.constant 256 : i32
      %mul3A_109 = arith.muli %scan3A_7, %mul3A_108 : i32
      %add3A_110 = arith.addi %mul3A_2, %mul3A_109 : i32
      "tpu.region"() ({
        %run_scoped3A = tpu.sem_alloc : memref<!tpu.dma_semaphore, #tpu.memory_space<semaphore_mem>>
        %dma_start3A = arith.constant 0 : i32
        %dma_start3A_114 = tpu.memref_slice %arg5[%add3A_110, %dma_start3A] : memref<16384x64xf32, #tpu.memory_space<hbm>> -> memref<256x64xf32, #tpu.memory_space<hbm>>
        %dma_start3A_115 = arith.constant 0 : i32
        %dma_start3A_116 = tpu.memref_slice %arg5[%add3A_110, %dma_start3A_115] : memref<16384x64xf32, #tpu.memory_space<hbm>> -> memref<256x64xf32, #tpu.memory_space<hbm>>
        tpu.enqueue_dma source(%arg9 : memref<256x64xf32, #tpu.memory_space<vmem>>) target(%dma_start3A_116 : memref<256x64xf32, #tpu.memory_space<hbm>>) target_semaphore(%run_scoped3A : memref<!tpu.dma_semaphore, #tpu.memory_space<semaphore_mem>>)
        %dma_wait3A_117 = arith.constant 0 : i32
        %dma_wait3A_118 = tpu.memref_slice %arg5[%add3A_110, %dma_wait3A_117] : memref<16384x64xf32, #tpu.memory_space<hbm>> -> memref<256x64xf32, #tpu.memory_space<hbm>>
        %dma_wait3A_119 = arith.constant 0 : i32
        %dma_wait3A_120 = tpu.memref_slice %arg5[%add3A_110, %dma_wait3A_119] : memref<16384x64xf32, #tpu.memory_space<hbm>> -> memref<256x64xf32, #tpu.memory_space<hbm>>
        tpu.wait_dma2 semaphore(%run_scoped3A : memref<!tpu.dma_semaphore, #tpu.memory_space<semaphore_mem>>) src(%arg9 : memref<256x64xf32, #tpu.memory_space<vmem>>) dst(%dma_wait3A_120 : memref<256x64xf32, #tpu.memory_space<hbm>>)
        tpu.yield
      }) : () -> ()
      %mul3A_111 = arith.constant 256 : i32
      %mul3A_112 = arith.muli %scan3A_7, %mul3A_111 : i32
      %add3A_113 = arith.addi %mul3A_2, %mul3A_112 : i32
      "tpu.region"() ({
        %run_scoped3A = tpu.sem_alloc : memref<!tpu.dma_semaphore, #tpu.memory_space<semaphore_mem>>
        %dma_start3A = arith.constant 0 : i32
        %dma_start3A_114 = tpu.memref_slice %arg6[%add3A_113, %dma_start3A] : memref<16384x64xf32, #tpu.memory_space<hbm>> -> memref<256x64xf32, #tpu.memory_space<hbm>>
        %dma_start3A_115 = arith.constant 0 : i32
        %dma_start3A_116 = tpu.memref_slice %arg6[%add3A_113, %dma_start3A_115] : memref<16384x64xf32, #tpu.memory_space<hbm>> -> memref<256x64xf32, #tpu.memory_space<hbm>>
        tpu.enqueue_dma source(%arg10 : memref<256x64xf32, #tpu.memory_space<vmem>>) target(%dma_start3A_116 : memref<256x64xf32, #tpu.memory_space<hbm>>) target_semaphore(%run_scoped3A : memref<!tpu.dma_semaphore, #tpu.memory_space<semaphore_mem>>)
        %dma_wait3A_117 = arith.constant 0 : i32
        %dma_wait3A_118 = tpu.memref_slice %arg6[%add3A_113, %dma_wait3A_117] : memref<16384x64xf32, #tpu.memory_space<hbm>> -> memref<256x64xf32, #tpu.memory_space<hbm>>
        %dma_wait3A_119 = arith.constant 0 : i32
        %dma_wait3A_120 = tpu.memref_slice %arg6[%add3A_113, %dma_wait3A_119] : memref<16384x64xf32, #tpu.memory_space<hbm>> -> memref<256x64xf32, #tpu.memory_space<hbm>>
        tpu.wait_dma2 semaphore(%run_scoped3A : memref<!tpu.dma_semaphore, #tpu.memory_space<semaphore_mem>>) src(%arg10 : memref<256x64xf32, #tpu.memory_space<vmem>>) dst(%dma_wait3A_120 : memref<256x64xf32, #tpu.memory_space<hbm>>)
        tpu.yield
      }) : () -> ()
    }
    %scan3A_6 = arith.constant 2 : i32
    return
  }
}

</mosaic_0001>

<sc_bundles>
// kernel: kernel.3.cloned.1.call-start
scs
__scs_entry_jumppad:
0x0: {  	(pc) =	sbr.rel $0x88, $3  }
0x1: {  	(tag) =	ssettag $0x0;
	lr =	simm.s32 $0x1  }
0x2: {  	[smem:$0x3F9E] =	sst lr;
	_ =	strace $0xD0000000  }
0x3: {  	_ = 	snop  }
0x4: {  	_ = 	snop  }
0x5: {  	_ = 	snop  }
0x6: {  	_ = 	snop  }
0x7: {  	_ = 	snop  }
__scs_overlays_trampoline_lowered:
0x8: {  	[smem:$0x3FAD] =	sst s0  }
0x9: {  	[smem:$0x3FAE] =	sst s1  }
0xa: {  	[smem:$0x3FAF] =	sst s2  }
0xb: {  	[smem:$0x3FB0] =	sst s3  }
0xc: {  	[smem:$0x3FB1] =	sst s4  }
0xd: {  	[smem:$0x3FB2] =	sst s5  }
0xe: {  	[smem:$0x3FB3] =	sst s6  }
0xf: {  	[smem:$0x3FB4] =	sst s7  }
0x10: {  	[smem:$0x3FB5] =	sst s8  }
0x11: {  	[smem:$0x3FB6] =	sst s9;
	s0 =	simm.s32 @!p0 $0x0  }
0x12: {  	s1 =	sld [smem:$0x3F9C];
	s0 =	simm.s32 @p0 $0x1  }
0x13: {  	[smem:$0x3FB7] =	sst s0;
	s0 =	simm.s32 @!p1 $0x0  }
0x14: {  	s2 =	sld [smem:$0x3F9B];
	s0 =	simm.s32 @p1 $0x1  }
0x15: {  	[smem:$0x3FB8] =	sst s0;
	s0 =	simm.s32 @!p2 $0x0  }
0x16: {  	s3 =	sld [smem:$0x3FDB];
	s0 =	simm.s32 @p2 $0x1  }
0x17: {  	s4 =	simm.s32 $0x1BF5;
	[smem:$0x3FBA] =	sst s0  }
0x18: {  	s0 =	sld [smem:$0x3F9D];
	_ =	swait.ge [sflag:s4], $0x0  }
0x19: {  	s7 =	sld [smem:$0x3F9E]  }
0x1a: {  	s8 =	sadd.s32 $0xFFFFE003, lr  }
0x1b: {  	s9 =	sadd.s32 $0xFFFFFEF7, lr;
	s5 =	simm.s32 $0xFFFFFFFF;
	p2 =	slt.u32 s8, $0xFFFFF086  }
0x1c: {  	p1 =	slt.u32 s9, $0xF7A;
	s5 =	simm.s32 @!p2 $0x0  }
0x1d: {  	s5 =	simm.s32 @p1 $0x1;
	p0 =	seq.s32 s7, s2  }
0x1e: {  	s7 =	smul.u32 @!p0 $0xF7A, s2;
	p2 =	seq.s32 @!p0 s5, $0x0  }
0x1f: {  	s9 =	smul.u32 $0xF7A, s1;
	s8 =	simm.s32 @!p0 $0x1BF5;
	p2 =	por !p2, p0  }
0x20: {  	[sflag:s8] =	ssyncset.s32 @!p0 $0xFFFFF086;
	s6 =	sadd.s32 @!p0 s3, s7;
	s7 =	simm.s32 @!p0 $0x108  }
0x21: {  	s3 =	sadd.s32 s3, s9;
	s6 =	sadd.s32 @!p0 $0x88, s6;
	s7 =	simm.s32 @p2 $0x1082  }
0x22: {  	[simem:s7], [sflag:s8] =	dma.local @!p0 [hbm:s6], $0xF7A  }
0x23: {  	s9 =	sor.u32 $0xD0000000, s2;
	s6 =	simm.s32 $0x108;
	_ =	swait.ge @!p0 [sflag:s8], $0x0  }
0x24: {  	s3 =	sadd.s32 $0x88, s3;
	s6 =	simm.s32 @!p1 $0x1082;
	[sflag:s4] =	ssyncset.s32 $0xFFFFF086  }
0x25: {  	[simem:s6], [sflag:s4] =	dma.local [hbm:s3], $0xF7A  }
0x26: {  	[smem:$0x3F9E] =	sst s1;
	(tag) =	ssettag s2;
	_ =	strace s9  }
0x27: {  	s1 =	sld [smem:$0x3FAE]  }
0x28: {  	s2 =	sld [smem:$0x3FAF]  }
0x29: {  	s4 =	sld [smem:$0x3FB1]  }
0x2a: {  	p0 =	seq.s32 s5, $0x0;
	s5 =	sld [smem:$0x3FB2]  }
0x2b: {  	s6 =	sld [smem:$0x3FB3]  }
0x2c: {  	s7 =	sld [smem:$0x3FB4]  }
0x2d: {  	s3 =	simm.s32 $0x108;
	s8 =	sld [smem:$0x3FB5]  }
0x2e: {  	s3 =	simm.s32 @!p0 $0x1082;
	s9 =	sld [smem:$0x3FB6]  }
0x2f: {  	lr =	sadd.s32 s0, s3;
	s0 =	sld [smem:$0x3FAD]  }
0x30: {  	s3 =	sld [smem:$0x3FB0]  }
0x31: {  	[smem:$0x3FB9] =	sst s10  }
0x32: {  	s10 =	sld [smem:$0x3FB7];
	_ =	sdelay $0x3  }
0x33: {  	p0 =	seq.s32 s10, $0x1;
	s10 =	sld [smem:$0x3FB9];
	_ =	sdelay $0x3  }
0x34: {  	[smem:$0x3FB9] =	sst s10  }
0x35: {  	s10 =	sld [smem:$0x3FB8];
	_ =	sdelay $0x3  }
0x36: {  	p1 =	seq.s32 s10, $0x1;
	s10 =	sld [smem:$0x3FB9];
	_ =	sdelay $0x3  }
0x37: {  	[smem:$0x3FB9] =	sst s10  }
0x38: {  	s10 =	sld [smem:$0x3FBA]  }
0x39: {  	_ = 	snop;
	(pc) =	sbr.ind lr, $3  }
0x3a: {  	_ = 	snop  }
0x3b: {  	_ = 	snop  }
0x3c: {  	p2 =	seq.s32 s10, $0x1;
	s10 =	sld [smem:$0x3FB9]  }
0x3d: {  	_ =	shalt  }
0x3e: {  	_ =	shalt  }
0x3f: {  	_ =	shalt  }
0x40: {  	_ =	shalt  }
0x41: {  	_ =	shalt  }
0x42: {  	_ =	shalt  }
0x43: {  	_ =	shalt  }
0x44: {  	_ =	shalt  }
0x45: {  	_ =	shalt  }
0x46: {  	_ =	shalt  }
0x47: {  	_ =	shalt  }
0x48: {  	_ =	shalt  }
0x49: {  	_ =	shalt  }
0x4a: {  	_ =	shalt  }
0x4b: {  	_ =	shalt  }
0x4c: {  	_ =	shalt  }
0x4d: {  	_ =	shalt  }
0x4e: {  	_ =	shalt  }
0x4f: {  	_ =	shalt  }
0x50: {  	_ =	shalt  }
0x51: {  	_ =	shalt  }
0x52: {  	_ =	shalt  }
0x53: {  	_ =	shalt  }
0x54: {  	_ =	shalt  }
0x55: {  	_ =	shalt  }
0x56: {  	_ =	shalt  }
0x57: {  	_ =	shalt  }
0x58: {  	_ =	shalt  }
0x59: {  	_ =	shalt  }
0x5a: {  	_ =	shalt  }
0x5b: {  	_ =	shalt  }
0x5c: {  	_ =	shalt  }
0x5d: {  	_ =	shalt  }
0x5e: {  	_ =	shalt  }
0x5f: {  	_ =	shalt  }
0x60: {  	_ =	shalt  }
0x61: {  	_ =	shalt  }
0x62: {  	_ =	shalt  }
0x63: {  	_ =	shalt  }
0x64: {  	_ =	shalt  }
0x65: {  	_ =	shalt  }
0x66: {  	_ =	shalt  }
0x67: {  	_ =	shalt  }
0x68: {  	_ =	shalt  }
0x69: {  	_ =	shalt  }
0x6a: {  	_ =	shalt  }
0x6b: {  	_ =	shalt  }
0x6c: {  	_ =	shalt  }
0x6d: {  	_ =	shalt  }
0x6e: {  	_ =	shalt  }
0x6f: {  	_ =	shalt  }
0x70: {  	_ =	shalt  }
0x71: {  	_ =	shalt  }
0x72: {  	_ =	shalt  }
0x73: {  	_ =	shalt  }
0x74: {  	_ =	shalt  }
0x75: {  	_ =	shalt  }
0x76: {  	_ =	shalt  }
0x77: {  	_ =	shalt  }
0x78: {  	_ =	shalt  }
0x79: {  	_ =	shalt  }
0x7a: {  	_ =	shalt  }
0x7b: {  	_ =	shalt  }
0x7c: {  	_ =	shalt  }
0x7d: {  	_ =	shalt  }
0x7e: {  	_ =	shalt  }
0x7f: {  	_ =	shalt  }
0x80: {  	_ =	shalt  }
0x81: {  	_ =	shalt  }
0x82: {  	_ =	shalt  }
0x83: {  	_ =	shalt  }
0x84: {  	_ =	shalt  }
0x85: {  	_ =	shalt  }
0x86: {  	_ =	shalt  }
0x87: {  	_ =	shalt  }
.Lfunc_end0:
.L_simem_size_0:
called_computation_lowered:
.L_overlay_start_0:
0x88: {  	s2 =	sld [smem:$0x3FD9]  }
0x89: {  	s3 =	sld [smem:$0x3FFE];
	_ =	sdelay $0x1  }
0x8a: {  	s1 =	srdreg.scid  }
0x8b: {  	s0 =	sand.u32 $0x1, s1  }
0x8c: {  	s17 =	sshll.u32 s0, $0xA;
	s2 =	sadd.s32 s3, s2  }
0x8d: {  	s2 =	sadd.s32 s2, s17  }
0x8e: {  	[smem:$0x3FC5] =	sst s2  }
0x8f: {  	_ = 	snop  }
0x90: {  	s2 =	sld [smem:$0x3FC9]  }
0x91: {  	s18 =	sld [smem:$0x3FC8];
	(tm) =	ssettm $0x1  }
0x92: {  	s4 =	sld [smem:$0x3FFB];
	_ =	sdelay $0x3  }
0x93: {  	_ =	strace s4  }
0x94: {  	s4 =	sld [smem:$0x3FFC];
	_ =	sdelay $0x3  }
0x95: {  	_ =	strace s4  }
0x96: {  	s4 =	sld [smem:$0x3FFD];
	_ =	sdelay $0x3  }
0x97: {  	_ =	strace s4  }
0x98: {  	_ =	strace $0x8FFFFFFF  }
0x99: {  	s19 =	sld [smem:$0x3FDB];
	_ =	sdelay $0x1  }
0x9a: {  	s5 =	simm.s32 $_scs_section_size  }
0x9b: {  	s6 =	simm.s32 $_size__tile_overlayer_lowered;
	s7 =	simm.s32 $_tile_overlayer_lowered  }
0x9c: {  	s22 =	simm.s32 $0x1BFF;
	s21 =	sshll.u32 s7, $0x1;
	s4 =	sadd.s32 s5, s19  }
0x9d: {  	s8 =	simm.s32 $0x0;
	s20 =	sshll.u32 s6, $0x1;
	s6 =	sadd.s32 s21, s4  }
0x9e: {  	[timem:s8], [sflag:s22] =	dma.local [hbm:s6], s20  }
0x9f: {  	_ =	swait.ge [sflag:s22], s20  }
0xa0: {  	s5 =	ssub.s32 $0x0, s20;
	[sflag:s22] =	ssyncset.done $0x0  }
0xa1: {  	[sflag:s22] =	ssyncadd.s32 s5;
	_ =	sdelay $0x1  }
0xa2: {  	s23 =	simm.s32 $0x1B8B  }
0xa3: {  	_ =	swait.ge [sflag:s23], $0x1  }
0xa4: {  	[sflag:s23] =	ssyncset.done $0x0  }
0xa5: {  	s25 =	simm.s32 $0x1B8E;
	s24 =	sld [smem:$0x3FFE];
	[sflag:s23] =	ssyncadd.s32 $0xFFFFFFFF  }
0xa6: {  	s26 =	simm.s32 $execute0_lowered;
	[smem:$0x3FD2] =	sst s25  }
0xa7: {  	s6 =	sshll.u32 s26, $0x1;
	_ =	strace $0x80000046;
	[dreg:$0x1] =	wrdreg $0xFFFFFFFF  }
0xa8: {  	s28 =	simm.s32 $_size_execute0_lowered;
	s4 =	sadd.s32 s4, s6;
	[dreg:$0x0] =	wrdreg $0x0  }
0xa9: {  	s6 =	sshll.u32 s28, $0x1;
	[dreg:$0x2] =	wrdreg s4  }
0xaa: {  	[dreg:$0x3] =	wrdreg s6  }
0xab: {  	[dreg:$0x4] =	wrdreg $0xC0  }
0xac: {  	_ =	task [dreg:s8], $0x5FFFF  }
0xad: {  	[dreg:$0x1] =	wrdreg $0xFFFFFFFF  }
0xae: {  	[dreg:$0x0] =	wrdreg $0x60  }
0xaf: {  	[dreg:$0x2] =	wrdreg s24  }
0xb0: {  	[dreg:$0x3] =	wrdreg s2  }
0xb1: {  	[dreg:$0x4] =	wrdreg s18  }
0xb2: {  	[dreg:$0x5] =	wrdreg $0x9  }
0xb3: {  	_ =	task.clear_ibuf [dreg:s8], $0x6FFFF;
	_ =	strace $0x90000046  }
0xb4: {  	s29 =	simm.s32 $0x9;
	_ =	strace $0x80000048  }
0xb5: {  	_ =	swait.ge [sflag:s29], $0x1  }
0xb6: {  	[sflag:s29] =	ssyncadd.s32 $0xFFFFFFFF  }
0xb7: {  	_ =	strace $0x90000048  }
0xb8: {  	_ =	sfence  }
0xb9: {  	s30 =	sld [smem:$0x0];
	_ =	sdelay $0x2  }
0xba: {  	s31 =	sshll.u32 s1, $0xD;
	s1 =	sshrl.u32 s1, $0x2  }
0xbb: {  	s3 =	sand.u32 $0x4000, s31;
	s1 =	sadd.s32 s1, s30  }
0xbc: {  	s0 =	sor.u32 s3, s0;
	s1 =	sshll.u32 s1, $0x11  }
0xbd: {  	s0 =	sor.u32 s1, s0  }
0xbe: {  	s0 =	sadd.s32 $0x8F2B, s0  }
0xbf: {  	[sflag:s0] =	ssyncadd.remote.s32 $0x1  }
0xc0: {  	_ =	sfence.sel $0xFFFF  }
0xc1: {  	[dreg:$0x0] =	wrdreg $0xFFFFFFFF;
	(pc) =	sbr.abs _section_cstart, $3  }
0xc2: {  	[dreg:$0x1] =	wrdreg $0xFFFFFFFF  }
0xc3: {  	_ =	task.clear_ibuf [dreg:s8], $0x2FFFF;
	_ =	strace $0x9FFFFFFF  }
0xc4: {  	(tm) =	ssettm $0x7FFFFFFF  }
0xc5: {  	_ =	shalt  }
tec
execute0_lowered:
.L_overlay_start_1:
0x0: {  	(tag) =	ssettag $0x1  }
0x1: {  	s0 =	rddreg [dreg:$0x0]  }
0x2: {  	s1 =	rddreg [dreg:$0x1]  }
0x3: {  	s4 =	rddreg [dreg:$0x2];
	s2 =	simm.s32 $0x0;
	s3 =	srdreg.scid  }
0x4: {  	[smem:$0x7FF] =	sst s2;
	s5 =	sand.u32 $0x1, s3;
	s3 =	sadd.s32 $0xA00, s0  }
0x5: {  	s6 =	stileid.u32;
	s26 =	sadd.s32 $0xF42E00, s0;
	s0 =	sadd.s32 $0xF82E00, s0  }
0x6: {  	s6 =	sshll.u32 s6, $0xA;
	_ =	strace $0x80000047;
	s7 =	sshll.u32 s5, $0x9  }
0x7: {  	s5 =	ssub.s32 $0x2, s5;
	[dreg:$0xc] =	wrdreg s26;
	s6 =	sor.u32 s7, s6  }
0x8: {  	[dreg:$0xd] =	wrdreg s0;
	s8 =	sshrl.u32 s6, $0x3;
	s31 =	sshll.u32 s6, $0x4  }
0x9: {  	s28 =	sshrl.u32 s5, $0x1;
	s1 =	sadd.s32 s1, s8;
	[dreg:$0x10] =	wrdreg s31  }
0xa: {  	s29 =	ssub.s32 s5, s28;
	s30 =	sadd.s32 s4, s8;
	[dreg:$0xe] =	wrdreg s1  }
0xb: {  	s0 =	smax.u32 s29, $0x1;
	[dreg:$0xf] =	wrdreg s30  }
0xc: {  	[dreg:$0x11] =	wrdreg s0;
	s1 =	simm.s32 $0x0  }
.LBB2_1:
0xd: {  	[dreg:$0x12] =	wrdreg s1  }
0xe: {  	s0 =	rddreg [dreg:$0xe];
	s30 =	simm.s32 $0x9  }
0xf: {  	[tilespmem:s2], [sflag:$0x9] =	stream.linear.gather [hbm4b:s0+s2], $0x200, $0x38;
	[tilespmem:$0x10400] =	vst v63  }
0x10: {  	_ =	swait.ge [sflag:s30], $0x200  }
0x11: {  	[sflag:s30] =	ssyncset.done $0x0  }
0x12: {  	s4 =	simm.s32 $0x200;
	s31 =	rddreg [dreg:$0xf];
	[sflag:s30] =	ssyncadd.s32 $0xFFFFFE00  }
0x13: {  	[tilespmem:s4], [sflag:$0x9] =	stream.linear.gather [hbm4b:s31+s2], $0x200, $0x38;
	[tilespmem:$0x10400] =	vst v63  }
0x14: {  	_ =	swait.ge [sflag:s30], $0x200  }
0x15: {  	[sflag:s30] =	ssyncset.done $0x0  }
0x16: {  	p1 =	por $0x1, $0x1;
	s0 =	simm.s32 $0x0;
	[sflag:s30] =	ssyncadd.s32 $0xFFFFFE00  }
.LBB2_2:
0x17: {  	s9 =	sshll.u32 s0, $0x8  }
0x18: {  	s6 =	sand.u32 $0x3FFFFF00, s9  }
0x19: {  	[dreg:$0x13] =	wrdreg s0;
	s0 =	sadd.s32 $0x200, s6;
	v0 =	vld [tilespmem:s6+$0x0]  }
0x1a: {  	v2 =	vld [tilespmem:s0+$0x0];
	_ =	sdelay $0x3  }
0x1b: {  	v1 =	vshll.u32 v0, $0x4  }
0x1c: {  	v63 =	vshll.u32 v2, $0x4;
	(v2sf) =	vpush v1, $0x0  }
0x1d: {  	(v2sf) =	vpush v63, $0x0  }
0x1e: {  	(v2sf) =	vpush v1, $0x1;
	_ =	sdelay $0x1  }
0x1f: {  	(v2sf) =	vpush v63, $0x1  }
0x20: {  	(v2sf) =	vpush v1, $0x2;
	_ =	sdelay $0x1  }
0x21: {  	(v2sf) =	vpush v63, $0x2;
	_ =	sdelay $0x2  }
0x22: {  	s24 =	simm.s32 $0x2000;
	s23 =	simm.s32 $0x0  }
0x23: {  	s7 =	simm.s32 $0x8400;
	s5 =	simm.s32 $0x680;
	s4 =	simm.s32 $0x880;
	(v2sf) =	vpush v1, $0x3  }
0x24: {  	s1 =	simm.s32 $0x400;
	s13 =	simm.s32 $0x480;
	s15 =	simm.s32 $0x8480  }
0x25: {  	s18 =	simm.s32 $0x500;
	s21 =	simm.s32 $0x8500;
	s25 =	simm.s32 $0x580;
	(v2sf) =	vpush v63, $0x3  }
0x26: {  	p0 =	por p1, p1;
	s31 =	simm.s32 $0x8B00;
	s9 =	simm.s32 $0x600  }
0x27: {  	s28 =	sadd.s32 $0x10, s6;
	s29 =	sadd.s32 $0x10, s0;
	s8 =	spop (v2sf)  }
0x28: {  	s0 =	simm.s32 $0xB00;
	s8 =	sand.u32 $0x1FFFFFF0, s8;
	s10 =	spop (v2sf)  }
0x29: {  	(v2sf) =	vpush v1, $0x4;
	s8 =	sadd.s32 s3, s8;
	s10 =	sand.u32 $0x1FFFFFF0, s10;
	s11 =	spop (v2sf)  }
0x2a: {  	[tilespmem:s1], [sflag:$0x1] =	stream.linear.gather [hbm4b:s8+s2], $0x80, $0x38;
	[tilespmem:$0x10400] =	vst v63  }
0x2b: {  	(v2sf) =	vpush v63, $0x4;
	s1 =	simm.s32 $0x8900;
	s10 =	sadd.s32 s3, s10;
	s14 =	spop (v2sf)  }
0x2c: {  	s12 =	sand.u32 $0x1FFFFFF0, s11;
	(v2sf) =	vpush v1, $0x5;
	s8 =	sand.u32 $0x1FFFFFF0, s14;
	s16 =	spop (v2sf)  }
0x2d: {  	[tilespmem:s7], [sflag:$0x5] =	stream.linear.gather [hbm4b:s10+s2], $0x80, $0x38;
	[tilespmem:$0x10400] =	vst v63  }
0x2e: {  	(v2sf) =	vpush v63, $0x5;
	s10 =	sadd.s32 s3, s12;
	s8 =	sadd.s32 s3, s8;
	s17 =	spop (v2sf)  }
0x2f: {  	(v2sf) =	vpush v1, $0x6;
	[tilespmem:s13], [sflag:$0x2] =	stream.linear.gather [hbm4b:s10+s2], $0x80, $0x38;
	[tilespmem:$0x10400] =	vst v63  }
0x30: {  	s12 =	simm.s32 $0x8580;
	s7 =	simm.s32 $0x8A00;
	s10 =	sand.u32 $0x1FFFFFF0, s16  }
0x31: {  	[tilespmem:s15], [sflag:$0x6] =	stream.linear.gather [hbm4b:s8+s2], $0x80, $0x38;
	[tilespmem:$0x10400] =	vst v63  }
0x32: {  	s20 =	sand.u32 $0x1FFFFFF0, s17;
	s22 =	spop (v2sf);
	s19 =	sadd.s32 s3, s10  }
0x33: {  	(v2sf) =	vpush v63, $0x6;
	[tilespmem:s18], [sflag:$0x3] =	stream.linear.gather [hbm4b:s19+s2], $0x80, $0x38;
	[tilespmem:$0x10400] =	vst v63  }
0x34: {  	s26 =	spop (v2sf);
	s10 =	sadd.s32 s3, s20;
	s8 =	sand.u32 $0x1FFFFFF0, s22  }
0x35: {  	(v2sf) =	vpush v1, $0x7;
	[tilespmem:s21], [sflag:$0x7] =	stream.linear.gather [hbm4b:s10+s2], $0x80, $0x38;
	[tilespmem:$0x10400] =	vst v63  }
0x36: {  	s16 =	simm.s32 $0x8600;
	s8 =	sadd.s32 s3, s8;
	s10 =	sand.u32 $0x1FFFFFF0, s26  }
0x37: {  	[tilespmem:s25], [sflag:$0x4] =	stream.linear.gather [hbm4b:s8+s2], $0x80, $0x38;
	[tilespmem:$0x10400] =	vst v63  }
0x38: {  	s21 =	simm.s32 $0x8680;
	s13 =	sadd.s32 s3, s10;
	s30 =	spop (v2sf)  }
0x39: {  	(v2sf) =	vpush v63, $0x7;
	[tilespmem:s12], [sflag:$0x8] =	stream.linear.gather [hbm4b:s13+s2], $0x80, $0x38;
	[tilespmem:$0x10400] =	vst v63  }
0x3a: {  	s25 =	simm.s32 $0x700;
	s14 =	sand.u32 $0x1FFFFFF0, s30;
	s15 =	spop (v2sf)  }
0x3b: {  	(v2sf) =	vpush v1, $0x8;
	s10 =	sadd.s32 s3, s14;
	s8 =	sand.u32 $0x1FFFFFF0, s15;
	s17 =	spop (v2sf)  }
0x3c: {  	(v2sf) =	vpush v63, $0x8;
	[tilespmem:s9], [sflag:$0x1] =	stream.linear.gather [hbm4b:s10+s2], $0x80, $0x38;
	[tilespmem:$0x10400] =	vst v63  }
0x3d: {  	s14 =	simm.s32 $0x780;
	s8 =	sadd.s32 s3, s8;
	s18 =	spop (v2sf)  }
0x3e: {  	s10 =	sand.u32 $0x1FFFFFF0, s17;
	(v2sf) =	vpush v1, $0x9;
	s20 =	sand.u32 $0x1FFFFFF0, s18;
	s22 =	spop (v2sf)  }
0x3f: {  	[tilespmem:s16], [sflag:$0x5] =	stream.linear.gather [hbm4b:s8+s2], $0x80, $0x38;
	[tilespmem:$0x10400] =	vst v63  }
0x40: {  	s19 =	sadd.s32 s3, s10;
	(v2sf) =	vpush v63, $0x9;
	s9 =	sadd.s32 s3, s20;
	s8 =	sand.u32 $0x1FFFFFF0, s22  }
0x41: {  	[tilespmem:s5], [sflag:$0x2] =	stream.linear.gather [hbm4b:s19+s2], $0x80, $0x38;
	[tilespmem:$0x10400] =	vst v63  }
0x42: {  	(v2sf) =	vpush v1, $0xA;
	s26 =	spop (v2sf);
	s16 =	simm.s32 $0x8780;
	s22 =	simm.s32 $0x8800  }
0x43: {  	[tilespmem:s21], [sflag:$0x6] =	stream.linear.gather [hbm4b:s9+s2], $0x80, $0x38;
	[tilespmem:$0x10400] =	vst v63  }
0x44: {  	s8 =	sadd.s32 s3, s8;
	s30 =	spop (v2sf);
	(v2sf) =	vpush v63, $0xA;
	s9 =	sand.u32 $0x1FFFFFF0, s26  }
0x45: {  	[tilespmem:s25], [sflag:$0x3] =	stream.linear.gather [hbm4b:s8+s2], $0x80, $0x38;
	[tilespmem:$0x10400] =	vst v63  }
0x46: {  	s13 =	sand.u32 $0x1FFFFFF0, s30;
	s11 =	sadd.s32 s3, s9;
	s8 =	simm.s32 $0x8700  }
0x47: {  	[tilespmem:s8], [sflag:$0x7] =	stream.linear.gather [hbm4b:s11+s2], $0x80, $0x38;
	[tilespmem:$0x10400] =	vst v63  }
0x48: {  	s19 =	simm.s32 $0x800;
	s9 =	sadd.s32 s3, s13;
	s15 =	spop (v2sf);
	(v2sf) =	vpush v1, $0xB  }
0x49: {  	[tilespmem:s14], [sflag:$0x4] =	stream.linear.gather [hbm4b:s9+s2], $0x80, $0x38;
	[tilespmem:$0x10400] =	vst v63  }
0x4a: {  	s11 =	simm.s32 $0x8880;
	(v2sf) =	vpush v63, $0xB;
	s8 =	sand.u32 $0x1FFFFFF0, s15;
	s17 =	spop (v2sf)  }
0x4b: {  	s8 =	sadd.s32 s3, s8;
	s9 =	sand.u32 $0x1FFFFFF0, s17;
	s18 =	spop (v2sf)  }
0x4c: {  	[tilespmem:s16], [sflag:$0x8] =	stream.linear.gather [hbm4b:s8+s2], $0x80, $0x38;
	[tilespmem:$0x10400] =	vst v63  }
0x4d: {  	(v2sf) =	vpush v1, $0xC;
	s20 =	sadd.s32 s3, s9;
	s21 =	sand.u32 $0x1FFFFFF0, s18;
	s25 =	spop (v2sf)  }
0x4e: {  	[tilespmem:s19], [sflag:$0x1] =	stream.linear.gather [hbm4b:s20+s2], $0x80, $0x38;
	[tilespmem:$0x10400] =	vst v63  }
0x4f: {  	s9 =	sadd.s32 s3, s21;
	(v2sf) =	vpush v63, $0xC;
	s8 =	sand.u32 $0x1FFFFFF0, s25;
	s26 =	spop (v2sf)  }
0x50: {  	[tilespmem:s22], [sflag:$0x5] =	stream.linear.gather [hbm4b:s9+s2], $0x80, $0x38;
	[tilespmem:$0x10400] =	vst v63  }
0x51: {  	s8 =	sadd.s32 s3, s8;
	s30 =	spop (v2sf);
	s9 =	sand.u32 $0x1FFFFFF0, s26  }
0x52: {  	[tilespmem:s4], [sflag:$0x2] =	stream.linear.gather [hbm4b:s8+s2], $0x80, $0x38;
	[tilespmem:$0x10400] =	vst v63  }
0x53: {  	s14 =	sand.u32 $0x1FFFFFF0, s30;
	s16 =	spop (v2sf);
	s13 =	sadd.s32 s3, s9  }
0x54: {  	[tilespmem:s11], [sflag:$0x6] =	stream.linear.gather [hbm4b:s13+s2], $0x80, $0x38;
	[tilespmem:$0x10400] =	vst v63  }
0x55: {  	s15 =	simm.s32 $0x900;
	s9 =	sadd.s32 s3, s14;
	s17 =	sand.u32 $0x1FFFFFF0, s16  }
0x56: {  	[tilespmem:s15], [sflag:$0x3] =	stream.linear.gather [hbm4b:s9+s2], $0x80, $0x38;
	[tilespmem:$0x10400] =	vst v63  }
0x57: {  	s12 =	simm.s32 $0xA80;
	s4 =	sadd.s32 s3, s17;
	s18 =	spop (v2sf)  }
0x58: {  	[tilespmem:s1], [sflag:$0x7] =	stream.linear.gather [hbm4b:s4+s2], $0x80, $0x38;
	[tilespmem:$0x10400] =	vst v63  }
0x59: {  	s5 =	simm.s32 $0x8980;
	(v2sf) =	vpush v1, $0xD;
	s8 =	sand.u32 $0x1FFFFFF0, s18;
	s19 =	spop (v2sf)  }
0x5a: {  	s21 =	simm.s32 $0x980;
	(v2sf) =	vpush v63, $0xD;
	s22 =	sadd.s32 s3, s8;
	s25 =	sand.u32 $0x1FFFFFF0, s19  }
0x5b: {  	(v2sf) =	vpush v1, $0xE;
	[tilespmem:s21], [sflag:$0x4] =	stream.linear.gather [hbm4b:s22+s2], $0x80, $0x38;
	[tilespmem:$0x10400] =	vst v63  }
0x5c: {  	s20 =	simm.s32 $0x8A80;
	s30 =	spop (v2sf);
	s26 =	sadd.s32 s3, s25;
	(v2sf) =	vpush v63, $0xE  }
0x5d: {  	(v2sf) =	vpush v1, $0xF;
	[tilespmem:s5], [sflag:$0x8] =	stream.linear.gather [hbm4b:s26+s2], $0x80, $0x38;
	[tilespmem:$0x10400] =	vst v63  }
0x5e: {  	s1 =	simm.s32 $0xA00;
	s4 =	sand.u32 $0x1FFFFFF0, s30;
	(v2sf) =	vpush v63, $0xF;
	s5 =	spop (v2sf)  }
.LBB2_3:
0x5f: {  	_ =	sdelay $0x4  }
0x60: {  	s4 =	sadd.s32 s3, s4;
	s5 =	sand.u32 $0x1FFFFFF0, s5  }
0x61: {  	[tilespmem:s1], [sflag:$0x1] =	stream.linear.gather [hbm4b:s4+s2], $0x80, $0x38;
	[tilespmem:$0x10400] =	vst v63  }
0x62: {  	s4 =	sadd.s32 s3, s5  }
0x63: {  	[tilespmem:s7], [sflag:$0x5] =	stream.linear.gather [hbm4b:s4+s2], $0x80, $0x38;
	[tilespmem:$0x10400] =	vst v63  }
0x64: {  	s6 =	spop (v2sf)  }
0x65: {  	s5 =	sand.u32 $0x1FFFFFF0, s6;
	s6 =	spop (v2sf)  }
0x66: {  	s8 =	sadd.s32 s3, s5;
	s9 =	sand.u32 $0x1FFFFFF0, s6;
	s10 =	spop (v2sf)  }
0x67: {  	[tilespmem:s12], [sflag:$0x2] =	stream.linear.gather [hbm4b:s8+s2], $0x80, $0x38;
	[tilespmem:$0x10400] =	vst v63  }
0x68: {  	s11 =	sadd.s32 s3, s9;
	s12 =	sand.u32 $0x1FFFFFF0, s10;
	s13 =	spop (v2sf)  }
0x69: {  	[tilespmem:s20], [sflag:$0x6] =	stream.linear.gather [hbm4b:s11+s2], $0x80, $0x38;
	[tilespmem:$0x10400] =	vst v63  }
0x6a: {  	s14 =	sadd.s32 s3, s12;
	s15 =	sand.u32 $0x1FFFFFF0, s13;
	s16 =	spop (v2sf)  }
0x6b: {  	[tilespmem:s0], [sflag:$0x3] =	stream.linear.gather [hbm4b:s14+s2], $0x80, $0x38;
	[tilespmem:$0x10400] =	vst v63  }
0x6c: {  	s17 =	sadd.s32 s3, s15;
	s18 =	sand.u32 $0x1FFFFFF0, s16;
	s19 =	spop (v2sf)  }
0x6d: {  	[tilespmem:s31], [sflag:$0x7] =	stream.linear.gather [hbm4b:s17+s2], $0x80, $0x38;
	[tilespmem:$0x10400] =	vst v63  }
0x6e: {  	s20 =	sadd.s32 $0xB80, s23;
	s1 =	sadd.s32 s3, s18;
	s4 =	sand.u32 $0x1FFFFFF0, s19  }
0x6f: {  	[tilespmem:s20], [sflag:$0x4] =	stream.linear.gather [hbm4b:s1+s2], $0x80, $0x38;
	[tilespmem:$0x10400] =	vst v63  }
0x70: {  	s21 =	sadd.s32 $0x8B80, s23;
	s22 =	sadd.s32 s3, s4  }
0x71: {  	[tilespmem:s21], [sflag:$0x8] =	stream.linear.gather [hbm4b:s22+s2], $0x80, $0x38;
	[tilespmem:$0x10400] =	vst v63  }
0x72: {  	v0 =	vld [tilespmem:s28+$0x0]  }
0x73: {  	v2 =	vld [tilespmem:s29+$0x0];
	_ =	sdelay $0x3  }
0x74: {  	v1 =	vshll.u32 v0, $0x4  }
0x75: {  	s23 =	smov.u32 s24;
	v63 =	vshll.u32 v2, $0x4;
	(v2sf) =	vpush v1, $0x0  }
0x76: {  	s23 =	sshra.s32 s23, $0x2;
	(v2sf) =	vpush v63, $0x0  }
0x77: {  	p1 =	sne.s32 s24, $0x1E000;
	s24 =	sadd.s32 $0x2000, s24;
	s11 =	sadd.s32 $0x8400, s23;
	(v2sf) =	vpush v1, $0x1  }
0x78: {  	s5 =	sadd.s32 $0x680, s23;
	s0 =	sadd.s32 $0x880, s23;
	s7 =	sadd.s32 $0x400, s23  }
0x79: {  	s16 =	sadd.s32 $0x600, s23;
	s25 =	sadd.s32 $0x8900, s23;
	s10 =	sadd.s32 $0x580, s23;
	(v2sf) =	vpush v63, $0x1  }
0x7a: {  	s18 =	sadd.s32 $0x8580, s23;
	s26 =	sadd.s32 $0x8A00, s23;
	[dreg:$0x7] =	wrdreg s0  }
0x7b: {  	s30 =	sadd.s32 $0xA80, s23;
	s6 =	sadd.s32 $0x8480, s23;
	[dreg:$0x5] =	wrdreg s25;
	(v2sf) =	vpush v1, $0x2  }
0x7c: {  	s15 =	sadd.s32 $0x8680, s23;
	s14 =	sadd.s32 $0x700, s23;
	[dreg:$0x4] =	wrdreg s26  }
0x7d: {  	s13 =	sadd.s32 $0x8700, s23;
	s4 =	sadd.s32 $0x8880, s23;
	[dreg:$0xb] =	wrdreg s30;
	(v2sf) =	vpush v63, $0x2  }
0x7e: {  	s8 =	sadd.s32 $0x900, s23;
	s12 =	sadd.s32 $0x780, s23;
	[dreg:$0x9] =	wrdreg s4  }
0x7f: {  	s9 =	sadd.s32 $0x8800, s23;
	s25 =	sadd.s32 $0x500, s23;
	[dreg:$0x8] =	wrdreg s8;
	(v2sf) =	vpush v1, $0x3  }
0x80: {  	[dreg:$0xa] =	wrdreg s9;
	s8 =	sadd.s32 $0x8780, s23;
	s4 =	sadd.s32 $0x800, s23  }
0x81: {  	s0 =	sadd.s32 $0xB00, s23;
	s17 =	sadd.s32 $0x8600, s23;
	s1 =	sadd.s32 $0x8980, s23;
	(v2sf) =	vpush v63, $0x3  }
0x82: {  	s31 =	sadd.s32 $0x8B00, s23;
	s20 =	sadd.s32 $0x8A80, s23;
	[dreg:$0x6] =	wrdreg s1  }
0x83: {  	s1 =	sadd.s32 $0xA00, s23;
	s22 =	sadd.s32 $0x8500, s23;
	s21 =	sadd.s32 $0x480, s23;
	(v2sf) =	vpush v1, $0x4  }
0x84: {  	s28 =	sadd.s32 $0x10, s28;
	s29 =	sadd.s32 $0x10, s29;
	s9 =	spop (v2sf)  }
0x85: {  	s19 =	sand.u32 $0x1FFFFFF0, s9;
	s9 =	sadd.s32 $0x980, s23;
	s26 =	spop (v2sf);
	(v2sf) =	vpush v63, $0x4  }
0x86: {  	s19 =	sadd.s32 s3, s19;
	s26 =	sand.u32 $0x1FFFFFF0, s26;
	s30 =	spop (v2sf)  }
0x87: {  	(v2sf) =	vpush v1, $0x5;
	[tilespmem:s7], [sflag:$0x1] =	stream.linear.gather [hbm4b:s19+s2], $0x80, $0x38;
	[tilespmem:$0x10400] =	vst v63  }
0x88: {  	s19 =	sadd.s32 s3, s26;
	s26 =	sand.u32 $0x1FFFFFF0, s30;
	s30 =	spop (v2sf);
	(v2sf) =	vpush v63, $0x5  }
0x89: {  	[tilespmem:s11], [sflag:$0x5] =	stream.linear.gather [hbm4b:s19+s2], $0x80, $0x38;
	[tilespmem:$0x10400] =	vst v63  }
0x8a: {  	s19 =	sadd.s32 s3, s26;
	s26 =	sand.u32 $0x1FFFFFF0, s30;
	s30 =	spop (v2sf);
	(v2sf) =	vpush v1, $0x6  }
0x8b: {  	[tilespmem:s21], [sflag:$0x2] =	stream.linear.gather [hbm4b:s19+s2], $0x80, $0x38;
	[tilespmem:$0x10400] =	vst v63  }
0x8c: {  	s21 =	sadd.s32 s3, s26;
	s26 =	sand.u32 $0x1FFFFFF0, s30;
	s30 =	spop (v2sf);
	(v2sf) =	vpush v63, $0x6  }
0x8d: {  	[tilespmem:s6], [sflag:$0x6] =	stream.linear.gather [hbm4b:s21+s2], $0x80, $0x38;
	[tilespmem:$0x10400] =	vst v63  }
0x8e: {  	s11 =	sadd.s32 s3, s26;
	s19 =	sand.u32 $0x1FFFFFF0, s30;
	s21 =	spop (v2sf);
	(v2sf) =	vpush v1, $0x7  }
0x8f: {  	[tilespmem:s25], [sflag:$0x3] =	stream.linear.gather [hbm4b:s11+s2], $0x80, $0x38;
	[tilespmem:$0x10400] =	vst v63  }
0x90: {  	s26 =	sand.u32 $0x1FFFFFF0, s21;
	s30 =	spop (v2sf);
	(v2sf) =	vpush v63, $0x7;
	s25 =	sadd.s32 s3, s19  }
0x91: {  	[tilespmem:s22], [sflag:$0x7] =	stream.linear.gather [hbm4b:s25+s2], $0x80, $0x38;
	[tilespmem:$0x10400] =	vst v63  }
0x92: {  	s19 =	sadd.s32 s3, s26;
	s21 =	sand.u32 $0x1FFFFFF0, s30;
	s22 =	spop (v2sf)  }
0x93: {  	[tilespmem:s10], [sflag:$0x4] =	stream.linear.gather [hbm4b:s19+s2], $0x80, $0x38;
	[tilespmem:$0x10400] =	vst v63  }
0x94: {  	(v2sf) =	vpush v1, $0x8;
	s25 =	sadd.s32 s3, s21;
	s26 =	sand.u32 $0x1FFFFFF0, s22;
	s30 =	spop (v2sf)  }
0x95: {  	[tilespmem:s18], [sflag:$0x8] =	stream.linear.gather [hbm4b:s25+s2], $0x80, $0x38;
	[tilespmem:$0x10400] =	vst v63  }
0x96: {  	s7 =	sadd.s32 s3, s26;
	(v2sf) =	vpush v63, $0x8;
	s11 =	sand.u32 $0x1FFFFFF0, s30;
	s18 =	spop (v2sf)  }
0x97: {  	s19 =	sadd.s32 s3, s11;
	s21 =	sand.u32 $0x1FFFFFF0, s18;
	s22 =	spop (v2sf)  }
0x98: {  	[tilespmem:s16], [sflag:$0x1] =	stream.linear.gather [hbm4b:s7+s2], $0x80, $0x38;
	[tilespmem:$0x10400] =	vst v63  }
0x99: {  	(v2sf) =	vpush v1, $0x9;
	s25 =	sadd.s32 s3, s21;
	s26 =	sand.u32 $0x1FFFFFF0, s22;
	s30 =	spop (v2sf)  }
0x9a: {  	[tilespmem:s17], [sflag:$0x5] =	stream.linear.gather [hbm4b:s19+s2], $0x80, $0x38;
	[tilespmem:$0x10400] =	vst v63  }
0x9b: {  	(v2sf) =	vpush v63, $0x9;
	s7 =	sadd.s32 s3, s26;
	s10 =	sand.u32 $0x1FFFFFF0, s30;
	s11 =	spop (v2sf)  }
0x9c: {  	[tilespmem:s5], [sflag:$0x2] =	stream.linear.gather [hbm4b:s25+s2], $0x80, $0x38;
	[tilespmem:$0x10400] =	vst v63  }
0x9d: {  	(v2sf) =	vpush v1, $0xA;
	s16 =	sadd.s32 s3, s10;
	s17 =	sand.u32 $0x1FFFFFF0, s11;
	s18 =	spop (v2sf)  }
0x9e: {  	[tilespmem:s15], [sflag:$0x6] =	stream.linear.gather [hbm4b:s7+s2], $0x80, $0x38;
	[tilespmem:$0x10400] =	vst v63  }
0x9f: {  	(v2sf) =	vpush v63, $0xA;
	s19 =	sadd.s32 s3, s17;
	s21 =	sand.u32 $0x1FFFFFF0, s18;
	s22 =	spop (v2sf)  }
0xa0: {  	[tilespmem:s14], [sflag:$0x3] =	stream.linear.gather [hbm4b:s16+s2], $0x80, $0x38;
	[tilespmem:$0x10400] =	vst v63  }
0xa1: {  	s7 =	rddreg [dreg:$0x4];
	s25 =	sadd.s32 s3, s21;
	s26 =	sand.u32 $0x1FFFFFF0, s22  }
0xa2: {  	[tilespmem:s13], [sflag:$0x7] =	stream.linear.gather [hbm4b:s19+s2], $0x80, $0x38;
	[tilespmem:$0x10400] =	vst v63  }
0xa3: {  	(v2sf) =	vpush v1, $0xB;
	s21 =	rddreg [dreg:$0xa];
	s10 =	sadd.s32 s3, s26;
	s30 =	spop (v2sf)  }
0xa4: {  	[tilespmem:s12], [sflag:$0x4] =	stream.linear.gather [hbm4b:s25+s2], $0x80, $0x38;
	[tilespmem:$0x10400] =	vst v63  }
0xa5: {  	(v2sf) =	vpush v63, $0xB;
	s11 =	sand.u32 $0x1FFFFFF0, s30;
	s30 =	rddreg [dreg:$0x7];
	s13 =	spop (v2sf)  }
0xa6: {  	(v2sf) =	vpush v1, $0xC;
	s14 =	sadd.s32 s3, s11;
	s12 =	rddreg [dreg:$0xb];
	s15 =	sand.u32 $0x1FFFFFF0, s13  }
0xa7: {  	[tilespmem:s8], [sflag:$0x8] =	stream.linear.gather [hbm4b:s10+s2], $0x80, $0x38;
	[tilespmem:$0x10400] =	vst v63  }
0xa8: {  	(v2sf) =	vpush v63, $0xC;
	s16 =	spop (v2sf);
	s17 =	sadd.s32 s3, s15;
	s10 =	rddreg [dreg:$0x9]  }
0xa9: {  	[tilespmem:s4], [sflag:$0x1] =	stream.linear.gather [hbm4b:s14+s2], $0x80, $0x38;
	[tilespmem:$0x10400] =	vst v63  }
0xaa: {  	s18 =	sand.u32 $0x1FFFFFF0, s16;
	s19 =	spop (v2sf);
	s15 =	rddreg [dreg:$0x8]  }
0xab: {  	[tilespmem:s21], [sflag:$0x5] =	stream.linear.gather [hbm4b:s17+s2], $0x80, $0x38;
	[tilespmem:$0x10400] =	vst v63  }
0xac: {  	s22 =	sadd.s32 s3, s18;
	s25 =	sand.u32 $0x1FFFFFF0, s19;
	s26 =	spop (v2sf)  }
0xad: {  	[tilespmem:s30], [sflag:$0x2] =	stream.linear.gather [hbm4b:s22+s2], $0x80, $0x38;
	[tilespmem:$0x10400] =	vst v63  }
0xae: {  	s5 =	sadd.s32 s3, s25;
	s6 =	sand.u32 $0x1FFFFFF0, s26;
	s8 =	spop (v2sf)  }
0xaf: {  	[tilespmem:s10], [sflag:$0x6] =	stream.linear.gather [hbm4b:s5+s2], $0x80, $0x38;
	[tilespmem:$0x10400] =	vst v63  }
0xb0: {  	s19 =	rddreg [dreg:$0x5];
	s11 =	sadd.s32 s3, s6;
	s13 =	sand.u32 $0x1FFFFFF0, s8  }
0xb1: {  	[tilespmem:s15], [sflag:$0x3] =	stream.linear.gather [hbm4b:s11+s2], $0x80, $0x38;
	[tilespmem:$0x10400] =	vst v63  }
0xb2: {  	s14 =	spop (v2sf);
	s16 =	sadd.s32 s3, s13;
	s30 =	rddreg [dreg:$0x6]  }
0xb3: {  	(v2sf) =	vpush v1, $0xD;
	[tilespmem:s19], [sflag:$0x7] =	stream.linear.gather [hbm4b:s16+s2], $0x80, $0x38;
	[tilespmem:$0x10400] =	vst v63  }
.Ltmp0:
0xb4: {  	(v2sf) =	vpush v63, $0xD;
	s17 =	sand.u32 $0x1FFFFFF0, s14;
	s18 =	spop (v2sf);
	(pc) =	sbr.rel @p1 .LBB2_3-.Ltmp0, $4  }
0xb5: {  	(v2sf) =	vpush v1, $0xE;
	s21 =	sadd.s32 s3, s17;
	s22 =	sand.u32 $0x1FFFFFF0, s18;
	s25 =	spop (v2sf)  }
0xb6: {  	(v2sf) =	vpush v63, $0xE;
	[tilespmem:s9], [sflag:$0x4] =	stream.linear.gather [hbm4b:s21+s2], $0x80, $0x38;
	[tilespmem:$0x10400] =	vst v63  }
0xb7: {  	(v2sf) =	vpush v1, $0xF;
	s26 =	sadd.s32 s3, s22;
	s4 =	sand.u32 $0x1FFFFFF0, s25;
	s5 =	spop (v2sf)  }
0xb8: {  	(v2sf) =	vpush v63, $0xF;
	[tilespmem:s30], [sflag:$0x8] =	stream.linear.gather [hbm4b:s26+s2], $0x80, $0x38;
	[tilespmem:$0x10400] =	vst v63  }
0xb9: {  	_ =	sdelay $0x4  }
0xba: {  	s4 =	sadd.s32 s3, s4;
	s5 =	sand.u32 $0x1FFFFFF0, s5  }
0xbb: {  	[tilespmem:s1], [sflag:$0x1] =	stream.linear.gather [hbm4b:s4+s2], $0x80, $0x38;
	[tilespmem:$0x10400] =	vst v63  }
0xbc: {  	s24 =	sadd.s32 s3, s5  }
0xbd: {  	[tilespmem:s7], [sflag:$0x5] =	stream.linear.gather [hbm4b:s24+s2], $0x80, $0x38;
	[tilespmem:$0x10400] =	vst v63  }
0xbe: {  	s6 =	spop (v2sf)  }
0xbf: {  	s25 =	sand.u32 $0x1FFFFFF0, s6;
	s26 =	spop (v2sf)  }
0xc0: {  	s28 =	sadd.s32 s3, s25;
	s29 =	sand.u32 $0x1FFFFFF0, s26;
	s30 =	spop (v2sf)  }
0xc1: {  	[tilespmem:s12], [sflag:$0x2] =	stream.linear.gather [hbm4b:s28+s2], $0x80, $0x38;
	[tilespmem:$0x10400] =	vst v63  }
0xc2: {  	s4 =	sadd.s32 s3, s29;
	s5 =	sand.u32 $0x1FFFFFF0, s30;
	s6 =	spop (v2sf)  }
0xc3: {  	[tilespmem:s20], [sflag:$0x6] =	stream.linear.gather [hbm4b:s4+s2], $0x80, $0x38;
	[tilespmem:$0x10400] =	vst v63  }
0xc4: {  	s7 =	sadd.s32 s3, s5;
	s8 =	sand.u32 $0x1FFFFFF0, s6;
	s9 =	spop (v2sf)  }
0xc5: {  	[tilespmem:s0], [sflag:$0x3] =	stream.linear.gather [hbm4b:s7+s2], $0x80, $0x38;
	[tilespmem:$0x10400] =	vst v63  }
0xc6: {  	s10 =	sadd.s32 s3, s8;
	s11 =	sand.u32 $0x1FFFFFF0, s9;
	s12 =	spop (v2sf)  }
0xc7: {  	[tilespmem:s31], [sflag:$0x7] =	stream.linear.gather [hbm4b:s10+s2], $0x80, $0x38;
	[tilespmem:$0x10400] =	vst v63  }
0xc8: {  	s13 =	sadd.s32 $0xB80, s23;
	s1 =	sadd.s32 s3, s11;
	s4 =	sand.u32 $0x1FFFFFF0, s12  }
0xc9: {  	[tilespmem:s13], [sflag:$0x4] =	stream.linear.gather [hbm4b:s1+s2], $0x80, $0x38;
	[tilespmem:$0x10400] =	vst v63  }
0xca: {  	s14 =	sadd.s32 $0x8B80, s23;
	s16 =	simm.s32 $0x1;
	s15 =	sadd.s32 s3, s4  }
0xcb: {  	[tilespmem:s14], [sflag:$0x8] =	stream.linear.gather [hbm4b:s15+s2], $0x80, $0x38;
	[tilespmem:$0x10400] =	vst v63  }
0xcc: {  	_ =	swait.ge [sflag:s16], $0x2000  }
0xcd: {  	[sflag:s16] =	ssyncset.done $0x0  }
0xce: {  	s17 =	simm.s32 $0x5;
	[sflag:s16] =	ssyncadd.s32 $0xFFFFE000  }
0xcf: {  	_ =	swait.ge [sflag:s17], $0x2000  }
0xd0: {  	[sflag:s17] =	ssyncset.done $0x0  }
0xd1: {  	s18 =	simm.s32 $0x2;
	[sflag:s17] =	ssyncadd.s32 $0xFFFFE000  }
0xd2: {  	_ =	swait.ge [sflag:s18], $0x2000  }
0xd3: {  	[sflag:s18] =	ssyncset.done $0x0  }
0xd4: {  	s19 =	simm.s32 $0x6;
	[sflag:s18] =	ssyncadd.s32 $0xFFFFE000  }
0xd5: {  	_ =	swait.ge [sflag:s19], $0x2000  }
0xd6: {  	[sflag:s19] =	ssyncset.done $0x0  }
0xd7: {  	s20 =	simm.s32 $0x3;
	[sflag:s19] =	ssyncadd.s32 $0xFFFFE000  }
0xd8: {  	_ =	swait.ge [sflag:s20], $0x2000  }
0xd9: {  	[sflag:s20] =	ssyncset.done $0x0  }
0xda: {  	s21 =	simm.s32 $0x7;
	[sflag:s20] =	ssyncadd.s32 $0xFFFFE000  }
0xdb: {  	_ =	swait.ge [sflag:s21], $0x2000  }
0xdc: {  	[sflag:s21] =	ssyncset.done $0x0  }
0xdd: {  	s22 =	simm.s32 $0x4;
	[sflag:s21] =	ssyncadd.s32 $0xFFFFE000  }
0xde: {  	_ =	swait.ge [sflag:s22], $0x2000  }
0xdf: {  	[sflag:s22] =	ssyncset.done $0x0  }
0xe0: {  	s23 =	simm.s32 $0x8;
	[sflag:s22] =	ssyncadd.s32 $0xFFFFE000  }
0xe1: {  	_ =	swait.ge [sflag:s23], $0x2000  }
0xe2: {  	s24 =	rddreg [dreg:$0x13]  }
0xe3: {  	s28 =	simm.s32 $0x400;
	s25 =	rddreg [dreg:$0x10];
	s0 =	sshll.u32 s24, $0xC  }
0xe4: {  	[sflag:s23] =	ssyncset.done $0x0;
	s26 =	rddreg [dreg:$0xc];
	s0 =	sor.u32 s25, s0  }
0xe5: {  	s29 =	simm.s32 $0x9;
	[sflag:s23] =	ssyncadd.s32 $0xFFFFE000;
	s1 =	sadd.s32 s26, s0  }
0xe6: {  	[hbm4b:s1+s2] =	stream.linear.scatter [tilespmem:s28], [sflag:$0x9], $0x8000, $0x38;
	[tilespmem:$0x10400] =	vst v63  }
0xe7: {  	_ =	swait.ge [sflag:s29], $0x8000  }
0xe8: {  	s31 =	simm.s32 $0x8400;
	[sflag:s29] =	ssyncset.done $0x0;
	s30 =	rddreg [dreg:$0xd]  }
.Ltmp1:
0xe9: {  	[sflag:s29] =	ssyncadd.s32 $0xFFFF8000;
	s0 =	sadd.s32 s30, s0;
	(pc) =	sbr.rel @p0 .LBB2_2-.Ltmp1, $4  }
0xea: {  	[hbm4b:s0+s2] =	stream.linear.scatter [tilespmem:s31], [sflag:$0x9], $0x8000, $0x38;
	[tilespmem:$0x10400] =	vst v63  }
0xeb: {  	_ =	swait.ge [sflag:s29], $0x8000  }
0xec: {  	[sflag:s29] =	ssyncset.done $0x0  }
0xed: {  	p1 =	por $0x0, $0x0;
	s0 =	simm.s32 $0x1;
	[sflag:s29] =	ssyncadd.s32 $0xFFFF8000  }
0xee: {  	s1 =	rddreg [dreg:$0x12]  }
0xef: {  	s0 =	rddreg [dreg:$0x11];
	s1 =	sadd.s32 $0x1, s1  }
0xf0: {  	p0 =	sne.s32 s1, s0  }
.Ltmp2:
0xf1: {  	_ = 	snop;
	(pc) =	sbr.rel @p0 .LBB2_1-.Ltmp2, $1  }
0xf2: {  	_ =	sdelay $0x3  }
0xf3: {  	_ =	sfence.sel $0x180000  }
0xf4: {  	[bflag:$0x0] =	sbarrier.arrive $0xFFFF  }
0xf5: {  	_ =	strace $0x90000047  }
0xf6: {  	s0 =	stileid.u32;
	[bflag:$0x2] =	sbarrier.arrive $0xFFFF  }
0xf7: {  	p0 =	sne.s32 s0, $0x0;
	s0 =	rddreg [dreg:$0x3]  }
0xf8: {  	s0 =	sadd.s32 @!p0 $0x100000, s0  }
0xf9: {  	[sflag:s0] =	ssyncadd.tile.s32 @!p0 $0x1;
	_ =	shalt  }
.Lfunc_end2:
_tile_overlayer_lowered:
.L_overlay_start_2:
0xfa: {  	(tag) =	ssettag $0x2  }
0xfb: {  	s0 =	rddreg [dreg:$0x0];
	s2 =	stileid.u32  }
0xfc: {  	s1 =	rddreg [dreg:$0x1];
	p0 =	sne.s32 s2, $0x0  }
0xfd: {  	s3 =	rddreg [dreg:$0x2];
	[bflag:$0x3] =	sbarrier.arrive $0xFFFF;
	s2 =	simm.s32 @!p0 $0x1C09  }
0xfe: {  	[timem:s3], [sflag:s2] =	dma.local @!p0 [hbm:s0], s1  }
0xff: {  	s0 =	simm.s32 @!p0 $0x9  }
0x100: {  	_ =	swait.ge @!p0 [sflag:s0], s1  }
0x101: {  	s1 =	ssub.s32 @!p0 $0x0, s1;
	[sflag:s0] =	ssyncset.done @!p0 $0x0  }
0x102: {  	[sflag:s0] =	ssyncadd.s32 @!p0 s1  }
0x103: {  	[bflag:$0x3] =	sbarrier.arrive $0xFFFF  }
0x104: {  	_ =	shalt  }

</sc_bundles>
